<compile_context>
chip_gen: v7x
topology: tpu7x:2x2x1
jax: 0.10.2.dev20260603
libtpu: 0.0.44.dev20260713+nightly
codegen_flags: <defaults>
</compile_context>

<pallas_src>
import functools

import jax
import jax.numpy as jnp
from jax import lax
from jax.experimental import pallas as pl
from jax.experimental.pallas import tpu as pltpu
from jax.experimental.pallas import tpu_sc as plsc

V_MIN, V_MAX = -6.0, 6.0
BATCH, INPUT_DIM = 4096, 100
NUM_EMB, EMB_DIM = 1000, 64

NUM_CORES, NUM_SUBCORES, LANES = 2, 16, 16
NW = NUM_CORES * NUM_SUBCORES
N_ELEM = BATCH * INPUT_DIM
PER_W = N_ELEM // NW
CHUNK = 256
N_CHUNKS = PER_W // CHUNK
N_SUPER = N_CHUNKS // 2
GROUPS = CHUNK // LANES
OUT_W = CHUNK * EMB_DIM


def _make_body():
    mesh = plsc.VectorSubcoreMesh(core_axis_name="c", subcore_axis_name="s")

    @functools.partial(
        pl.kernel,
        mesh=mesh,
        out_type=jax.ShapeDtypeStruct((N_ELEM * EMB_DIM,), jnp.float32),
        scratch_types=[
            pltpu.VMEM((NUM_EMB * EMB_DIM,), jnp.float32),
            pltpu.VMEM((PER_W,), jnp.float32),
            pltpu.VMEM((OUT_W,), jnp.float32),
            pltpu.VMEM((OUT_W,), jnp.float32),
            pltpu.SemaphoreType.DMA,
            pltpu.SemaphoreType.DMA,
        ],
        compiler_params=pltpu.CompilerParams(needs_layout_passes=False),
    )
    def body(x_hbm, emb_hbm, out_hbm, table_v, x_v, out0_v, out1_v, sem0, sem1):
        wid = lax.axis_index("s") * NUM_CORES + lax.axis_index("c")
        span = wid * PER_W
        pltpu.sync_copy(emb_hbm, table_v)
        pltpu.sync_copy(x_hbm.at[pl.ds(span, PER_W)], x_v)
        lane = lax.iota(jnp.int32, LANES)
        lane64 = lane * EMB_DIM
        scale = jnp.float32(NUM_EMB - 1)
        sems = (sem0, sem1)
        bufs = (out0_v, out1_v)

        def run_chunk(ci, buf_v, sem):
            off = ci * CHUNK

            def group_body(g, carry2):
                xv = x_v[pl.ds(off + g * LANES, LANES)]
                xs = (xv - V_MIN) / (V_MAX - V_MIN) * scale
                xs = jnp.minimum(jnp.maximum(xs, 0.0), scale)
                idx = xs.astype(jnp.int32)
                w_hi = xs - idx.astype(jnp.float32)
                w_lo = 1.0 - w_hi
                b_lo = idx
                b_hi = jnp.minimum(idx + 1, NUM_EMB - 1)
                o_base = g * (LANES * EMB_DIM) + lane64

                @plsc.parallel_loop(0, EMB_DIM, unroll=16)
                def cbody(c):
                    col = (lane + c) & (EMB_DIM - 1)
                    crow = col * NUM_EMB
                    a = plsc.load_gather(table_v, [crow + b_lo])
                    b = plsc.load_gather(table_v, [crow + b_hi])
                    o = w_lo * a + w_hi * b
                    plsc.store_scatter(buf_v, [o_base + col], o)

                return carry2

            lax.fori_loop(0, GROUPS, group_body, 0)
            pltpu.make_async_copy(
                buf_v,
                out_hbm.at[pl.ds((span + off) * EMB_DIM, OUT_W)],
                sem,
            ).start()

        def super_body(si, carry):
            for buf in range(2):
                ci = si * 2 + buf

                @pl.when(si > 0)
                def _wait():
                    pltpu.make_async_copy(
                        bufs[buf],
                        out_hbm.at[pl.ds(span * EMB_DIM, OUT_W)],
                        sems[buf],
                    ).wait()

                run_chunk(ci, bufs[buf], sems[buf])
            return carry

        lax.fori_loop(0, N_SUPER, super_body, 0)
        for buf in range(2):
            pltpu.make_async_copy(
                bufs[buf],
                out_hbm.at[pl.ds(span * EMB_DIM, OUT_W)],
                sems[buf],
            ).wait()

    return body


_body = _make_body()


@jax.jit
def kernel(x, embeddings):
    out = _body(x.reshape(-1), embeddings.T.reshape(-1))
    return out.reshape(BATCH, INPUT_DIM * EMB_DIM)

# --- scband reference (transcript-rebuilt; emitter-appended) ---
"""Pipeline reference for scband-linear-interpolation-embedding-29884382445871 (READ-ONLY COPY).

The authoritative reference and input builder live on the scoring server;
editing this copy changes nothing except your own understanding.
"""

import jax, jax.numpy as jnp
import numpy as np

BATCH = 4096
INPUT_DIM = 100
NUM_EMB = 1000
EMB_DIM = 64
V_MIN, V_MAX = -6.0, 6.0


def setup_inputs(seed: int = 0) -> dict:
    key = jax.random.key(seed)
    k1, k2 = jax.random.split(key)
    x = jax.random.normal(k1, (BATCH, INPUT_DIM), dtype=jnp.float32)
    embeddings = jax.random.normal(k2, (NUM_EMB, EMB_DIM), dtype=jnp.float32)
    return {"x": x, "embeddings": embeddings}


def reference(x, embeddings):
    num_embeddings = embeddings.shape[0]
    x_scaled = (x - V_MIN) / (V_MAX - V_MIN) * (num_embeddings - 1)
    x_scaled = jnp.clip(x_scaled, 0.0, float(num_embeddings - 1))
    idx_low = x_scaled.astype(jnp.int32)
    idx_high = jnp.minimum(idx_low + 1, num_embeddings - 1)
    weight_high = x_scaled - idx_low.astype(jnp.float32)
    weight_low = 1.0 - weight_high
    emb_low = jnp.take(embeddings, idx_low, axis=0)
    emb_high = jnp.take(embeddings, idx_high, axis=0)
    out = weight_low[..., None] * emb_low + weight_high[..., None] * emb_high
    return out.reshape(x.shape[0], -1)

if __name__ == "__main__":
    import jax
    _d = setup_inputs()
    print(jax.jit(kernel)(*tuple(_d.values())))

</pallas_src>

<mosaic_0001>
#map = affine_map<(d0, d1) -> (0)>
module attributes {stable_mosaic.version = 14 : i64} {
  func.func @body(%arg0: i32, %arg1: i32, %arg2: memref<409600xf32, #tpu.memory_space<hbm>>, %arg3: memref<64000xf32, #tpu.memory_space<hbm>>, %arg4: memref<26214400xf32, #tpu.memory_space<hbm>>, %arg5: memref<64000xf32, #tpu.memory_space<vmem>>, %arg6: memref<12800xf32, #tpu.memory_space<vmem>>, %arg7: memref<16384xf32, #tpu.memory_space<vmem>>, %arg8: memref<16384xf32, #tpu.memory_space<vmem>>, %arg9: memref<!tpu.dma_semaphore, #tpu.memory_space<semaphore_mem>>, %arg10: memref<!tpu.dma_semaphore, #tpu.memory_space<semaphore_mem>>) attributes {dimension_semantics = [#tpu.dimension_semantics<core_parallel>, #tpu.dimension_semantics<subcore_parallel>], iteration_bounds = array<i64: 2, 16>, scalar_prefetch = 0 : i64, scratch_operands = 6 : i64, tpu.core_type = #tpu.core_type<sc_vector_subcore>, window_params = [{transform_indices = #map}, {transform_indices = #map}, {transform_indices = #map}]} {
    %mul3A = arith.constant 2 : i32
    %mul3A_0 = arith.muli %arg1, %mul3A : i32
    %add3A = arith.addi %mul3A_0, %arg0 : i32
    %mul3A_1 = arith.constant 12800 : i32
    %mul3A_2 = arith.muli %add3A, %mul3A_1 : i32
    "tpu.region"() ({
      %run_scoped3A = tpu.sem_alloc : memref<!tpu.dma_semaphore, #tpu.memory_space<semaphore_mem>>
      tpu.enqueue_dma source(%arg3 : memref<64000xf32, #tpu.memory_space<hbm>>) target(%arg5 : memref<64000xf32, #tpu.memory_space<vmem>>) target_semaphore(%run_scoped3A : memref<!tpu.dma_semaphore, #tpu.memory_space<semaphore_mem>>)
      tpu.wait_dma2 semaphore(%run_scoped3A : memref<!tpu.dma_semaphore, #tpu.memory_space<semaphore_mem>>) src(%arg3 : memref<64000xf32, #tpu.memory_space<hbm>>) dst(%arg5 : memref<64000xf32, #tpu.memory_space<vmem>>)
      tpu.yield
    }) : () -> ()
    "tpu.region"() ({
      %run_scoped3A = tpu.sem_alloc : memref<!tpu.dma_semaphore, #tpu.memory_space<semaphore_mem>>
      %dma_start3A = tpu.memref_slice %arg2[%mul3A_2] : memref<409600xf32, #tpu.memory_space<hbm>> -> memref<12800xf32, #tpu.memory_space<hbm>>
      %dma_start3A_19 = tpu.memref_slice %arg2[%mul3A_2] : memref<409600xf32, #tpu.memory_space<hbm>> -> memref<12800xf32, #tpu.memory_space<hbm>>
      tpu.enqueue_dma source(%dma_start3A_19 : memref<12800xf32, #tpu.memory_space<hbm>>) target(%arg6 : memref<12800xf32, #tpu.memory_space<vmem>>) target_semaphore(%run_scoped3A : memref<!tpu.dma_semaphore, #tpu.memory_space<semaphore_mem>>)
      %dma_wait3A_20 = tpu.memref_slice %arg2[%mul3A_2] : memref<409600xf32, #tpu.memory_space<hbm>> -> memref<12800xf32, #tpu.memory_space<hbm>>
      %dma_wait3A_21 = tpu.memref_slice %arg2[%mul3A_2] : memref<409600xf32, #tpu.memory_space<hbm>> -> memref<12800xf32, #tpu.memory_space<hbm>>
      tpu.wait_dma2 semaphore(%run_scoped3A : memref<!tpu.dma_semaphore, #tpu.memory_space<semaphore_mem>>) src(%dma_wait3A_21 : memref<12800xf32, #tpu.memory_space<hbm>>) dst(%arg6 : memref<12800xf32, #tpu.memory_space<vmem>>)
      tpu.yield
    }) : () -> ()
    %iota3A = tpu.iota {dimensions = array<i32: 0>} : vector<16xi32>
    %mul3A_3 = arith.constant 64 : i32
    %mul3A_4 = vector.broadcast %mul3A_3 : i32 to vector<16xi32>
    %mul3A_5 = arith.muli %iota3A, %mul3A_4 : vector<16xi32>
    %scan3A = arith.constant 0 : i32
    %scan3A_6 = arith.constant 9.990000e+02 : f32
    %scan3A_7 = arith.constant 0 : i32
    %scan3A_8 = arith.constant 25 : i32
    %scan3A_9 = arith.addi %scan3A_7, %scan3A_8 : i32
    %scan3A_10 = arith.constant 1 : i32
    scf.for %scan3A_19 = %scan3A_7 to %scan3A_9 step %scan3A_10  : i32 {
      %mul3A_20 = arith.constant 2 : i32
      %mul3A_21 = arith.muli %scan3A_19, %mul3A_20 : i32
      %add3A_22 = arith.constant 0 : i32
      %add3A_23 = arith.addi %mul3A_21, %add3A_22 : i32
      %gt3A = arith.constant 0 : i32
      %gt3A_24 = arith.cmpi sgt, %scan3A_19, %gt3A : i32
      %convert_element_type3A = arith.extui %gt3A_24 : i1 to i32
      %cond3A = arith.constant 0 : i32
      %cond3A_25 = arith.cmpi ne, %convert_element_type3A, %cond3A : i32
      scf.if %cond3A_25 {
        %mul3A_60 = arith.constant 64 : i32
        %mul3A_61 = arith.muli %mul3A_2, %mul3A_60 : i32
        %dma_wait3A_62 = tpu.memref_slice %arg4[%mul3A_61] : memref<26214400xf32, #tpu.memory_space<hbm>> -> memref<16384xf32, #tpu.memory_space<hbm>>
        %dma_wait3A_63 = tpu.memref_slice %arg4[%mul3A_61] : memref<26214400xf32, #tpu.memory_space<hbm>> -> memref<16384xf32, #tpu.memory_space<hbm>>
        tpu.wait_dma2 semaphore(%arg9 : memref<!tpu.dma_semaphore, #tpu.memory_space<semaphore_mem>>) src(%arg7 : memref<16384xf32, #tpu.memory_space<vmem>>) dst(%dma_wait3A_63 : memref<16384xf32, #tpu.memory_space<hbm>>)
      } else {
      }
      %mul3A_26 = arith.constant 256 : i32
      %mul3A_27 = arith.muli %add3A_23, %mul3A_26 : i32
      %scan3A_28 = arith.constant 0 : i32
      %scan3A_29 = arith.constant 0 : i32
      %scan3A_30 = arith.constant 16 : i32
      %scan3A_31 = arith.addi %scan3A_29, %scan3A_30 : i32
      %scan3A_32 = arith.constant 1 : i32
      scf.for %scan3A_60 = %scan3A_29 to %scan3A_31 step %scan3A_32  : i32 {
        %mul3A_61 = arith.constant 16 : i32
        %mul3A_62 = arith.muli %scan3A_60, %mul3A_61 : i32
        %add3A_63 = arith.addi %mul3A_27, %mul3A_62 : i32
        %get3A = arith.index_cast %add3A_63 : i32 to index
        %get3A_64 = tpu.vector_load %arg6[%get3A] {strides = array<i32>} : memref<12800xf32, #tpu.memory_space<vmem>>, vector<16xf32>,
        %sub3A = arith.constant -6.000000e+00 : f32
        %sub3A_65 = vector.broadcast %sub3A : f32 to vector<16xf32>
        %sub3A_66 = arith.subf %get3A_64, %sub3A_65 : vector<16xf32>
        %div3A = arith.constant 1.200000e+01 : f32
        %div3A_67 = vector.broadcast %div3A : f32 to vector<16xf32>
        %div3A_68 = arith.divf %sub3A_66, %div3A_67 : vector<16xf32>
        %mul3A_69 = vector.broadcast %scan3A_6 : f32 to vector<16xf32>
        %mul3A_70 = arith.mulf %div3A_68, %mul3A_69 : vector<16xf32>
        %max3A = arith.constant 0.000000e+00 : f32
        %max3A_71 = vector.broadcast %max3A : f32 to vector<16xf32>
        %max3A_72 = arith.maximumf %mul3A_70, %max3A_71 : vector<16xf32>
        %min3A = vector.broadcast %scan3A_6 : f32 to vector<16xf32>
        %min3A_73 = arith.minimumf %max3A_72, %min3A : vector<16xf32>
        %convert_element_type3A_74 = arith.fptosi %min3A_73 : vector<16xf32> to vector<16xi32>
        %convert_element_type3A_75 = arith.sitofp %convert_element_type3A_74 : vector<16xi32> to vector<16xf32>
        %sub3A_76 = arith.subf %min3A_73, %convert_element_type3A_75 : vector<16xf32>
        %sub3A_77 = arith.constant 1.000000e+00 : f32
        %sub3A_78 = vector.broadcast %sub3A_77 : f32 to vector<16xf32>
        %sub3A_79 = arith.subf %sub3A_78, %sub3A_76 : vector<16xf32>
        %add3A_80 = arith.constant 1 : i32
        %add3A_81 = vector.broadcast %add3A_80 : i32 to vector<16xi32>
        %add3A_82 = arith.addi %convert_element_type3A_74, %add3A_81 : vector<16xi32>
        %min3A_83 = arith.constant 999 : i32
        %min3A_84 = vector.broadcast %min3A_83 : i32 to vector<16xi32>
        %min3A_85 = arith.minsi %add3A_82, %min3A_84 : vector<16xi32>
        %mul3A_86 = arith.constant 1024 : i32
        %mul3A_87 = arith.muli %scan3A_60, %mul3A_86 : i32
        %add3A_88 = vector.broadcast %mul3A_87 : i32 to vector<16xi32>
        %add3A_89 = arith.addi %add3A_88, %mul3A_5 : vector<16xi32>
        %parallel_loop3A = arith.constant 0 : i32
        %parallel_loop3A_90 = arith.constant 64 : i32
        %parallel_loop3A_91 = arith.constant 1 : i32
        scf.for %parallel_loop3A_92 = %parallel_loop3A to %parallel_loop3A_90 step %parallel_loop3A_91  : i32 {
          %parallel_loop3A_93 = vector.broadcast %parallel_loop3A_92 : i32 to vector<16xi32>
          %parallel_loop3A_94 = arith.addi %iota3A, %parallel_loop3A_93 : vector<16xi32>
          %parallel_loop3A_95 = arith.constant 63 : i32
          %parallel_loop3A_96 = vector.broadcast %parallel_loop3A_95 : i32 to vector<16xi32>
          %parallel_loop3A_97 = arith.andi %parallel_loop3A_94, %parallel_loop3A_96 : vector<16xi32>
          %parallel_loop3A_98 = arith.constant 1000 : i32
          %parallel_loop3A_99 = vector.broadcast %parallel_loop3A_98 : i32 to vector<16xi32>
          %parallel_loop3A_100 = arith.muli %parallel_loop3A_97, %parallel_loop3A_99 : vector<16xi32>
          %parallel_loop3A_101 = arith.addi %parallel_loop3A_100, %convert_element_type3A_74 : vector<16xi32>
          %parallel_loop3A_102 = tpu.vector_load_idx %arg5[%parallel_loop3A_101] : memref<64000xf32, #tpu.memory_space<vmem>>[vector<16xi32>], vector<16xf32>,
          %parallel_loop3A_103 = arith.addi %parallel_loop3A_100, %min3A_85 : vector<16xi32>
          %parallel_loop3A_104 = tpu.vector_load_idx %arg5[%parallel_loop3A_103] : memref<64000xf32, #tpu.memory_space<vmem>>[vector<16xi32>], vector<16xf32>,
          %parallel_loop3A_105 = arith.mulf %sub3A_79, %parallel_loop3A_102 : vector<16xf32>
          %parallel_loop3A_106 = arith.mulf %sub3A_76, %parallel_loop3A_104 : vector<16xf32>
          %parallel_loop3A_107 = arith.addf %parallel_loop3A_105, %parallel_loop3A_106 : vector<16xf32>
          %parallel_loop3A_108 = arith.addi %add3A_89, %parallel_loop3A_97 : vector<16xi32>
          tpu.vector_store_idx %arg7[%parallel_loop3A_108], %parallel_loop3A_107 : memref<16384xf32, #tpu.memory_space<vmem>>[vector<16xi32>], vector<16xf32>,
        } {sc.loop_unroll_factor = 16 : i64, sc.parallel_access}
      }
      %scan3A_33 = arith.constant 16 : i32
      %add3A_34 = arith.addi %mul3A_2, %mul3A_27 : i32
      %mul3A_35 = arith.constant 64 : i32
      %mul3A_36 = arith.muli %add3A_34, %mul3A_35 : i32
      %dma_start3A = tpu.memref_slice %arg4[%mul3A_36] : memref<26214400xf32, #tpu.memory_space<hbm>> -> memref<16384xf32, #tpu.memory_space<hbm>>
      %dma_start3A_37 = tpu.memref_slice %arg4[%mul3A_36] : memref<26214400xf32, #tpu.memory_space<hbm>> -> memref<16384xf32, #tpu.memory_space<hbm>>
      tpu.enqueue_dma source(%arg7 : memref<16384xf32, #tpu.memory_space<vmem>>) target(%dma_start3A_37 : memref<16384xf32, #tpu.memory_space<hbm>>) target_semaphore(%arg9 : memref<!tpu.dma_semaphore, #tpu.memory_space<semaphore_mem>>)
      %mul3A_38 = arith.constant 2 : i32
      %mul3A_39 = arith.muli %scan3A_19, %mul3A_38 : i32
      %add3A_40 = arith.constant 1 : i32
      %add3A_41 = arith.addi %mul3A_39, %add3A_40 : i32
      %gt3A_42 = arith.constant 0 : i32
      %gt3A_43 = arith.cmpi sgt, %scan3A_19, %gt3A_42 : i32
      %convert_element_type3A_44 = arith.extui %gt3A_43 : i1 to i32
      %cond3A_45 = arith.constant 0 : i32
      %cond3A_46 = arith.cmpi ne, %convert_element_type3A_44, %cond3A_45 : i32
      scf.if %cond3A_46 {
        %mul3A_60 = arith.constant 64 : i32
        %mul3A_61 = arith.muli %mul3A_2, %mul3A_60 : i32
        %dma_wait3A_62 = tpu.memref_slice %arg4[%mul3A_61] : memref<26214400xf32, #tpu.memory_space<hbm>> -> memref<16384xf32, #tpu.memory_space<hbm>>
        %dma_wait3A_63 = tpu.memref_slice %arg4[%mul3A_61] : memref<26214400xf32, #tpu.memory_space<hbm>> -> memref<16384xf32, #tpu.memory_space<hbm>>
        tpu.wait_dma2 semaphore(%arg10 : memref<!tpu.dma_semaphore, #tpu.memory_space<semaphore_mem>>) src(%arg8 : memref<16384xf32, #tpu.memory_space<vmem>>) dst(%dma_wait3A_63 : memref<16384xf32, #tpu.memory_space<hbm>>)
      } else {
      }
      %mul3A_47 = arith.constant 256 : i32
      %mul3A_48 = arith.muli %add3A_41, %mul3A_47 : i32
      %scan3A_49 = arith.constant 0 : i32
      %scan3A_50 = arith.constant 0 : i32
      %scan3A_51 = arith.constant 16 : i32
      %scan3A_52 = arith.addi %scan3A_50, %scan3A_51 : i32
      %scan3A_53 = arith.constant 1 : i32
      scf.for %scan3A_60 = %scan3A_50 to %scan3A_52 step %scan3A_53  : i32 {
        %mul3A_61 = arith.constant 16 : i32
        %mul3A_62 = arith.muli %scan3A_60, %mul3A_61 : i32
        %add3A_63 = arith.addi %mul3A_48, %mul3A_62 : i32
        %get3A = arith.index_cast %add3A_63 : i32 to index
        %get3A_64 = tpu.vector_load %arg6[%get3A] {strides = array<i32>} : memref<12800xf32, #tpu.memory_space<vmem>>, vector<16xf32>,
        %sub3A = arith.constant -6.000000e+00 : f32
        %sub3A_65 = vector.broadcast %sub3A : f32 to vector<16xf32>
        %sub3A_66 = arith.subf %get3A_64, %sub3A_65 : vector<16xf32>
        %div3A = arith.constant 1.200000e+01 : f32
        %div3A_67 = vector.broadcast %div3A : f32 to vector<16xf32>
        %div3A_68 = arith.divf %sub3A_66, %div3A_67 : vector<16xf32>
        %mul3A_69 = vector.broadcast %scan3A_6 : f32 to vector<16xf32>
        %mul3A_70 = arith.mulf %div3A_68, %mul3A_69 : vector<16xf32>
        %max3A = arith.constant 0.000000e+00 : f32
        %max3A_71 = vector.broadcast %max3A : f32 to vector<16xf32>
        %max3A_72 = arith.maximumf %mul3A_70, %max3A_71 : vector<16xf32>
        %min3A = vector.broadcast %scan3A_6 : f32 to vector<16xf32>
        %min3A_73 = arith.minimumf %max3A_72, %min3A : vector<16xf32>
        %convert_element_type3A_74 = arith.fptosi %min3A_73 : vector<16xf32> to vector<16xi32>
        %convert_element_type3A_75 = arith.sitofp %convert_element_type3A_74 : vector<16xi32> to vector<16xf32>
        %sub3A_76 = arith.subf %min3A_73, %convert_element_type3A_75 : vector<16xf32>
        %sub3A_77 = arith.constant 1.000000e+00 : f32
        %sub3A_78 = vector.broadcast %sub3A_77 : f32 to vector<16xf32>
        %sub3A_79 = arith.subf %sub3A_78, %sub3A_76 : vector<16xf32>
        %add3A_80 = arith.constant 1 : i32
        %add3A_81 = vector.broadcast %add3A_80 : i32 to vector<16xi32>
        %add3A_82 = arith.addi %convert_element_type3A_74, %add3A_81 : vector<16xi32>
        %min3A_83 = arith.constant 999 : i32
        %min3A_84 = vector.broadcast %min3A_83 : i32 to vector<16xi32>
        %min3A_85 = arith.minsi %add3A_82, %min3A_84 : vector<16xi32>
        %mul3A_86 = arith.constant 1024 : i32
        %mul3A_87 = arith.muli %scan3A_60, %mul3A_86 : i32
        %add3A_88 = vector.broadcast %mul3A_87 : i32 to vector<16xi32>
        %add3A_89 = arith.addi %add3A_88, %mul3A_5 : vector<16xi32>
        %parallel_loop3A = arith.constant 0 : i32
        %parallel_loop3A_90 = arith.constant 64 : i32
        %parallel_loop3A_91 = arith.constant 1 : i32
        scf.for %parallel_loop3A_92 = %parallel_loop3A to %parallel_loop3A_90 step %parallel_loop3A_91  : i32 {
          %parallel_loop3A_93 = vector.broadcast %parallel_loop3A_92 : i32 to vector<16xi32>
          %parallel_loop3A_94 = arith.addi %iota3A, %parallel_loop3A_93 : vector<16xi32>
          %parallel_loop3A_95 = arith.constant 63 : i32
          %parallel_loop3A_96 = vector.broadcast %parallel_loop3A_95 : i32 to vector<16xi32>
          %parallel_loop3A_97 = arith.andi %parallel_loop3A_94, %parallel_loop3A_96 : vector<16xi32>
          %parallel_loop3A_98 = arith.constant 1000 : i32
          %parallel_loop3A_99 = vector.broadcast %parallel_loop3A_98 : i32 to vector<16xi32>
          %parallel_loop3A_100 = arith.muli %parallel_loop3A_97, %parallel_loop3A_99 : vector<16xi32>
          %parallel_loop3A_101 = arith.addi %parallel_loop3A_100, %convert_element_type3A_74 : vector<16xi32>
          %parallel_loop3A_102 = tpu.vector_load_idx %arg5[%parallel_loop3A_101] : memref<64000xf32, #tpu.memory_space<vmem>>[vector<16xi32>], vector<16xf32>,
          %parallel_loop3A_103 = arith.addi %parallel_loop3A_100, %min3A_85 : vector<16xi32>
          %parallel_loop3A_104 = tpu.vector_load_idx %arg5[%parallel_loop3A_103] : memref<64000xf32, #tpu.memory_space<vmem>>[vector<16xi32>], vector<16xf32>,
          %parallel_loop3A_105 = arith.mulf %sub3A_79, %parallel_loop3A_102 : vector<16xf32>
          %parallel_loop3A_106 = arith.mulf %sub3A_76, %parallel_loop3A_104 : vector<16xf32>
          %parallel_loop3A_107 = arith.addf %parallel_loop3A_105, %parallel_loop3A_106 : vector<16xf32>
          %parallel_loop3A_108 = arith.addi %add3A_89, %parallel_loop3A_97 : vector<16xi32>
          tpu.vector_store_idx %arg8[%parallel_loop3A_108], %parallel_loop3A_107 : memref<16384xf32, #tpu.memory_space<vmem>>[vector<16xi32>], vector<16xf32>,
        } {sc.loop_unroll_factor = 16 : i64, sc.parallel_access}
      }
      %scan3A_54 = arith.constant 16 : i32
      %add3A_55 = arith.addi %mul3A_2, %mul3A_48 : i32
      %mul3A_56 = arith.constant 64 : i32
      %mul3A_57 = arith.muli %add3A_55, %mul3A_56 : i32
      %dma_start3A_58 = tpu.memref_slice %arg4[%mul3A_57] : memref<26214400xf32, #tpu.memory_space<hbm>> -> memref<16384xf32, #tpu.memory_space<hbm>>
      %dma_start3A_59 = tpu.memref_slice %arg4[%mul3A_57] : memref<26214400xf32, #tpu.memory_space<hbm>> -> memref<16384xf32, #tpu.memory_space<hbm>>
      tpu.enqueue_dma source(%arg8 : memref<16384xf32, #tpu.memory_space<vmem>>) target(%dma_start3A_59 : memref<16384xf32, #tpu.memory_space<hbm>>) target_semaphore(%arg10 : memref<!tpu.dma_semaphore, #tpu.memory_space<semaphore_mem>>)
    }
    %scan3A_11 = arith.constant 25 : i32
    %mul3A_12 = arith.constant 64 : i32
    %mul3A_13 = arith.muli %mul3A_2, %mul3A_12 : i32
    %dma_wait3A = tpu.memref_slice %arg4[%mul3A_13] : memref<26214400xf32, #tpu.memory_space<hbm>> -> memref<16384xf32, #tpu.memory_space<hbm>>
    %dma_wait3A_14 = tpu.memref_slice %arg4[%mul3A_13] : memref<26214400xf32, #tpu.memory_space<hbm>> -> memref<16384xf32, #tpu.memory_space<hbm>>
    tpu.wait_dma2 semaphore(%arg9 : memref<!tpu.dma_semaphore, #tpu.memory_space<semaphore_mem>>) src(%arg7 : memref<16384xf32, #tpu.memory_space<vmem>>) dst(%dma_wait3A_14 : memref<16384xf32, #tpu.memory_space<hbm>>)
    %mul3A_15 = arith.constant 64 : i32
    %mul3A_16 = arith.muli %mul3A_2, %mul3A_15 : i32
    %dma_wait3A_17 = tpu.memref_slice %arg4[%mul3A_16] : memref<26214400xf32, #tpu.memory_space<hbm>> -> memref<16384xf32, #tpu.memory_space<hbm>>
    %dma_wait3A_18 = tpu.memref_slice %arg4[%mul3A_16] : memref<26214400xf32, #tpu.memory_space<hbm>> -> memref<16384xf32, #tpu.memory_space<hbm>>
    tpu.wait_dma2 semaphore(%arg10 : memref<!tpu.dma_semaphore, #tpu.memory_space<semaphore_mem>>) src(%arg8 : memref<16384xf32, #tpu.memory_space<vmem>>) dst(%dma_wait3A_18 : memref<16384xf32, #tpu.memory_space<hbm>>)
    return
  }
}

</mosaic_0001>

<sc_bundles>
// kernel: kernel.3.cloned.1.call-start
scs
__scs_entry_jumppad:
0x0: {  	(pc) =	sbr.rel $0x88, $3  }
0x1: {  	(tag) =	ssettag $0x0;
	lr =	simm.s32 $0x1  }
0x2: {  	[smem:$0x3F9F] =	sst lr;
	_ =	strace $0xD0000000  }
0x3: {  	_ = 	snop  }
0x4: {  	_ = 	snop  }
0x5: {  	_ = 	snop  }
0x6: {  	_ = 	snop  }
0x7: {  	_ = 	snop  }
__scs_overlays_trampoline_lowered:
0x8: {  	[smem:$0x3FAE] =	sst s0  }
0x9: {  	[smem:$0x3FAF] =	sst s1  }
0xa: {  	[smem:$0x3FB0] =	sst s2  }
0xb: {  	[smem:$0x3FB1] =	sst s3  }
0xc: {  	[smem:$0x3FB2] =	sst s4  }
0xd: {  	[smem:$0x3FB3] =	sst s5  }
0xe: {  	[smem:$0x3FB4] =	sst s6  }
0xf: {  	[smem:$0x3FB5] =	sst s7  }
0x10: {  	[smem:$0x3FB6] =	sst s8  }
0x11: {  	[smem:$0x3FB7] =	sst s9;
	s0 =	simm.s32 @!p0 $0x0  }
0x12: {  	s1 =	sld [smem:$0x3F9D];
	s0 =	simm.s32 @p0 $0x1  }
0x13: {  	[smem:$0x3FB8] =	sst s0;
	s0 =	simm.s32 @!p1 $0x0  }
0x14: {  	s2 =	sld [smem:$0x3F9C];
	s0 =	simm.s32 @p1 $0x1  }
0x15: {  	[smem:$0x3FB9] =	sst s0;
	s0 =	simm.s32 @!p2 $0x0  }
0x16: {  	s3 =	sld [smem:$0x3FDB];
	s0 =	simm.s32 @p2 $0x1  }
0x17: {  	s4 =	simm.s32 $0x1BF5;
	[smem:$0x3FBB] =	sst s0  }
0x18: {  	s0 =	sld [smem:$0x3F9E];
	_ =	swait.ge [sflag:s4], $0x0  }
0x19: {  	s7 =	sld [smem:$0x3F9F]  }
0x1a: {  	s8 =	sadd.s32 $0xFFFFE003, lr  }
0x1b: {  	s9 =	sadd.s32 $0xFFFFFEF7, lr;
	s5 =	simm.s32 $0xFFFFFFFF;
	p2 =	slt.u32 s8, $0xFFFFF086  }
0x1c: {  	p1 =	slt.u32 s9, $0xF7A;
	s5 =	simm.s32 @!p2 $0x0  }
0x1d: {  	s5 =	simm.s32 @p1 $0x1;
	p0 =	seq.s32 s7, s2  }
0x1e: {  	s7 =	smul.u32 @!p0 $0xF7A, s2;
	p2 =	seq.s32 @!p0 s5, $0x0  }
0x1f: {  	s9 =	smul.u32 $0xF7A, s1;
	s8 =	simm.s32 @!p0 $0x1BF5;
	p2 =	por !p2, p0  }
0x20: {  	[sflag:s8] =	ssyncset.s32 @!p0 $0xFFFFF086;
	s6 =	sadd.s32 @!p0 s3, s7;
	s7 =	simm.s32 @!p0 $0x108  }
0x21: {  	s3 =	sadd.s32 s3, s9;
	s6 =	sadd.s32 @!p0 $0x88, s6;
	s7 =	simm.s32 @p2 $0x1082  }
0x22: {  	[simem:s7], [sflag:s8] =	dma.local @!p0 [hbm:s6], $0xF7A  }
0x23: {  	s9 =	sor.u32 $0xD0000000, s2;
	s6 =	simm.s32 $0x108;
	_ =	swait.ge @!p0 [sflag:s8], $0x0  }
0x24: {  	s3 =	sadd.s32 $0x88, s3;
	s6 =	simm.s32 @!p1 $0x1082;
	[sflag:s4] =	ssyncset.s32 $0xFFFFF086  }
0x25: {  	[simem:s6], [sflag:s4] =	dma.local [hbm:s3], $0xF7A  }
0x26: {  	[smem:$0x3F9F] =	sst s1;
	(tag) =	ssettag s2;
	_ =	strace s9  }
0x27: {  	s1 =	sld [smem:$0x3FAF]  }
0x28: {  	s2 =	sld [smem:$0x3FB0]  }
0x29: {  	s4 =	sld [smem:$0x3FB2]  }
0x2a: {  	p0 =	seq.s32 s5, $0x0;
	s5 =	sld [smem:$0x3FB3]  }
0x2b: {  	s6 =	sld [smem:$0x3FB4]  }
0x2c: {  	s7 =	sld [smem:$0x3FB5]  }
0x2d: {  	s3 =	simm.s32 $0x108;
	s8 =	sld [smem:$0x3FB6]  }
0x2e: {  	s3 =	simm.s32 @!p0 $0x1082;
	s9 =	sld [smem:$0x3FB7]  }
0x2f: {  	lr =	sadd.s32 s0, s3;
	s0 =	sld [smem:$0x3FAE]  }
0x30: {  	s3 =	sld [smem:$0x3FB1]  }
0x31: {  	[smem:$0x3FBA] =	sst s10  }
0x32: {  	s10 =	sld [smem:$0x3FB8];
	_ =	sdelay $0x3  }
0x33: {  	p0 =	seq.s32 s10, $0x1;
	s10 =	sld [smem:$0x3FBA];
	_ =	sdelay $0x3  }
0x34: {  	[smem:$0x3FBA] =	sst s10  }
0x35: {  	s10 =	sld [smem:$0x3FB9];
	_ =	sdelay $0x3  }
0x36: {  	p1 =	seq.s32 s10, $0x1;
	s10 =	sld [smem:$0x3FBA];
	_ =	sdelay $0x3  }
0x37: {  	[smem:$0x3FBA] =	sst s10  }
0x38: {  	s10 =	sld [smem:$0x3FBB]  }
0x39: {  	_ = 	snop;
	(pc) =	sbr.ind lr, $3  }
0x3a: {  	_ = 	snop  }
0x3b: {  	_ = 	snop  }
0x3c: {  	p2 =	seq.s32 s10, $0x1;
	s10 =	sld [smem:$0x3FBA]  }
0x3d: {  	_ =	shalt  }
0x3e: {  	_ =	shalt  }
0x3f: {  	_ =	shalt  }
0x40: {  	_ =	shalt  }
0x41: {  	_ =	shalt  }
0x42: {  	_ =	shalt  }
0x43: {  	_ =	shalt  }
0x44: {  	_ =	shalt  }
0x45: {  	_ =	shalt  }
0x46: {  	_ =	shalt  }
0x47: {  	_ =	shalt  }
0x48: {  	_ =	shalt  }
0x49: {  	_ =	shalt  }
0x4a: {  	_ =	shalt  }
0x4b: {  	_ =	shalt  }
0x4c: {  	_ =	shalt  }
0x4d: {  	_ =	shalt  }
0x4e: {  	_ =	shalt  }
0x4f: {  	_ =	shalt  }
0x50: {  	_ =	shalt  }
0x51: {  	_ =	shalt  }
0x52: {  	_ =	shalt  }
0x53: {  	_ =	shalt  }
0x54: {  	_ =	shalt  }
0x55: {  	_ =	shalt  }
0x56: {  	_ =	shalt  }
0x57: {  	_ =	shalt  }
0x58: {  	_ =	shalt  }
0x59: {  	_ =	shalt  }
0x5a: {  	_ =	shalt  }
0x5b: {  	_ =	shalt  }
0x5c: {  	_ =	shalt  }
0x5d: {  	_ =	shalt  }
0x5e: {  	_ =	shalt  }
0x5f: {  	_ =	shalt  }
0x60: {  	_ =	shalt  }
0x61: {  	_ =	shalt  }
0x62: {  	_ =	shalt  }
0x63: {  	_ =	shalt  }
0x64: {  	_ =	shalt  }
0x65: {  	_ =	shalt  }
0x66: {  	_ =	shalt  }
0x67: {  	_ =	shalt  }
0x68: {  	_ =	shalt  }
0x69: {  	_ =	shalt  }
0x6a: {  	_ =	shalt  }
0x6b: {  	_ =	shalt  }
0x6c: {  	_ =	shalt  }
0x6d: {  	_ =	shalt  }
0x6e: {  	_ =	shalt  }
0x6f: {  	_ =	shalt  }
0x70: {  	_ =	shalt  }
0x71: {  	_ =	shalt  }
0x72: {  	_ =	shalt  }
0x73: {  	_ =	shalt  }
0x74: {  	_ =	shalt  }
0x75: {  	_ =	shalt  }
0x76: {  	_ =	shalt  }
0x77: {  	_ =	shalt  }
0x78: {  	_ =	shalt  }
0x79: {  	_ =	shalt  }
0x7a: {  	_ =	shalt  }
0x7b: {  	_ =	shalt  }
0x7c: {  	_ =	shalt  }
0x7d: {  	_ =	shalt  }
0x7e: {  	_ =	shalt  }
0x7f: {  	_ =	shalt  }
0x80: {  	_ =	shalt  }
0x81: {  	_ =	shalt  }
0x82: {  	_ =	shalt  }
0x83: {  	_ =	shalt  }
0x84: {  	_ =	shalt  }
0x85: {  	_ =	shalt  }
0x86: {  	_ =	shalt  }
0x87: {  	_ =	shalt  }
.Lfunc_end0:
.L_simem_size_0:
called_computation_lowered:
.L_overlay_start_0:
0x88: {  	s2 =	sld [smem:$0x3FD9]  }
0x89: {  	s3 =	sld [smem:$0x3FFE];
	_ =	sdelay $0x1  }
0x8a: {  	s1 =	srdreg.scid  }
0x8b: {  	s0 =	sand.u32 $0x1, s1  }
0x8c: {  	s17 =	sshll.u32 s0, $0xA;
	s2 =	sadd.s32 s3, s2  }
0x8d: {  	s2 =	sadd.s32 s2, s17  }
0x8e: {  	[smem:$0x3FC6] =	sst s2  }
0x8f: {  	_ = 	snop  }
0x90: {  	s2 =	sld [smem:$0x3FD0];
	(tm) =	ssettm $0x1  }
0x91: {  	s18 =	sld [smem:$0x3FFB];
	_ =	sdelay $0x3  }
0x92: {  	_ =	strace s18  }
0x93: {  	s3 =	sld [smem:$0x3FFC];
	_ =	sdelay $0x3  }
0x94: {  	_ =	strace s3  }
0x95: {  	s3 =	sld [smem:$0x3FFD];
	_ =	sdelay $0x3  }
0x96: {  	_ =	strace s3  }
0x97: {  	_ =	strace $0x8FFFFFFF  }
0x98: {  	s19 =	sld [smem:$0x3FDB];
	_ =	sdelay $0x1  }
0x99: {  	s4 =	simm.s32 $_scs_section_size  }
0x9a: {  	s5 =	simm.s32 $_size__tile_overlayer_lowered;
	s6 =	simm.s32 $_tile_overlayer_lowered  }
0x9b: {  	s22 =	simm.s32 $0x1BFF;
	s21 =	sshll.u32 s6, $0x1;
	s3 =	sadd.s32 s4, s19  }
0x9c: {  	s7 =	simm.s32 $0x0;
	s20 =	sshll.u32 s5, $0x1;
	s5 =	sadd.s32 s21, s3  }
0x9d: {  	[timem:s7], [sflag:s22] =	dma.local [hbm:s5], s20  }
0x9e: {  	_ =	swait.ge [sflag:s22], s20  }
0x9f: {  	s4 =	ssub.s32 $0x0, s20;
	[sflag:s22] =	ssyncset.done $0x0  }
0xa0: {  	[sflag:s22] =	ssyncadd.s32 s4;
	_ =	sdelay $0x1  }
0xa1: {  	s23 =	simm.s32 $0x1B8B  }
0xa2: {  	_ =	swait.ge [sflag:s23], $0x1  }
0xa3: {  	[sflag:s23] =	ssyncset.done $0x0  }
0xa4: {  	s25 =	simm.s32 $0x1B8E;
	s24 =	sld [smem:$0x3FFE];
	[sflag:s23] =	ssyncadd.s32 $0xFFFFFFFF  }
0xa5: {  	s26 =	simm.s32 $execute0_lowered;
	[smem:$0x3FD2] =	sst s25  }
0xa6: {  	s5 =	sshll.u32 s26, $0x1;
	_ =	strace $0x80000046;
	[dreg:$0x1] =	wrdreg $0xFFFFFFFF  }
0xa7: {  	s28 =	simm.s32 $_size_execute0_lowered;
	s3 =	sadd.s32 s3, s5;
	[dreg:$0x0] =	wrdreg $0x0  }
0xa8: {  	s5 =	sshll.u32 s28, $0x1;
	[dreg:$0x2] =	wrdreg s3  }
0xa9: {  	[dreg:$0x3] =	wrdreg s5  }
0xaa: {  	[dreg:$0x4] =	wrdreg $0xC0  }
0xab: {  	_ =	task [dreg:s7], $0x5FFFF  }
0xac: {  	[dreg:$0x1] =	wrdreg $0xFFFFFFFF  }
0xad: {  	[dreg:$0x0] =	wrdreg $0x60  }
0xae: {  	[dreg:$0x2] =	wrdreg s2  }
0xaf: {  	[dreg:$0x3] =	wrdreg s24  }
0xb0: {  	[dreg:$0x4] =	wrdreg $0x9  }
0xb1: {  	_ =	task.clear_ibuf [dreg:s7], $0x5FFFF;
	_ =	strace $0x90000046  }
0xb2: {  	s29 =	simm.s32 $0x9;
	_ =	strace $0x80000048  }
0xb3: {  	_ =	swait.ge [sflag:s29], $0x1  }
0xb4: {  	[sflag:s29] =	ssyncadd.s32 $0xFFFFFFFF  }
0xb5: {  	_ =	strace $0x90000048  }
0xb6: {  	_ =	sfence  }
0xb7: {  	s30 =	sld [smem:$0x0];
	_ =	sdelay $0x2  }
0xb8: {  	s31 =	sshll.u32 s1, $0xD;
	s1 =	sshrl.u32 s1, $0x2  }
0xb9: {  	s3 =	sand.u32 $0x4000, s31;
	s1 =	sadd.s32 s1, s30  }
0xba: {  	s0 =	sor.u32 s3, s0;
	s1 =	sshll.u32 s1, $0x11  }
0xbb: {  	s0 =	sor.u32 s1, s0  }
0xbc: {  	s0 =	sadd.s32 $0x8F2B, s0  }
0xbd: {  	[sflag:s0] =	ssyncadd.remote.s32 $0x1  }
0xbe: {  	_ =	sfence.sel $0xFFFF  }
0xbf: {  	[dreg:$0x0] =	wrdreg $0xFFFFFFFF;
	(pc) =	sbr.abs _section_cstart, $3  }
0xc0: {  	[dreg:$0x1] =	wrdreg $0xFFFFFFFF  }
0xc1: {  	_ =	task.clear_ibuf [dreg:s7], $0x2FFFF;
	_ =	strace $0x9FFFFFFF  }
0xc2: {  	(tm) =	ssettm $0x7FFFFFFF  }
0xc3: {  	_ =	shalt  }
tec
execute0_lowered:
.L_overlay_start_1:
0x0: {  	(tag) =	ssettag $0x1  }
0x1: {  	s6 =	rddreg [dreg:$0x0]  }
0x2: {  	s5 =	rddreg [dreg:$0x1];
	s1 =	simm.s32 $0x0  }
0x3: {  	[smem:$0x7FF] =	sst s1  }
0x4: {  	s0 =	rddreg [dreg:$0x2];
	v0 =	vimm.f32 $1.200000000e+01;
	_ =	strace $0x80000047  }
0x5: {  	(erf) = vrcp.f32 v0;
	_ =	sdelay $0x2  }
0x6: {  	s3 =	srdreg.scid;
	s2 =	stileid.u32;
	s9 =	simm.s32 $0xFA00  }
0x7: {  	s10 =	simm.s32 $0x12C00;
	s3 =	sand.u32 $0x1, s3;
	s4 =	sshll.u32 s2, $0x1  }
0x8: {  	s11 =	simm.s32 $0x16C00;
	s12 =	simm.s32 $0x1;
	s4 =	sor.u32 s3, s4  }
0x9: {  	s13 =	simm.s32 $0x2;
	s7 =	ssub.s32 $0x2, s3;
	s3 =	smul.u32 $0x3200, s4  }
0xa: {  	s14 =	simm.s32 $0x0;
	s4 =	sadd.s32 $0x400, s5;
	s8 =	sshrl.u32 s7, $0x1  }
0xb: {  	s5 =	sadd.s32 $0x2400, s5;
	v0 =	vlaneseq.u32;
	s7 =	ssub.s32 s7, s8;
	s31 =	sshrl.u32 s3, $0x3  }
0xc: {  	s8 =	simm.s32 $0x3;
	v2 =	vmul.u32 $0x3E8, v0;
	v3 =	vmul.u32 $0x41, v0;
	v4 =	vmul.u32 $0x40, v0;
	s7 =	smax.u32 s7, $0x1;
	s6 =	sadd.s32 s6, s31;
	v1 =	vpop (erf)  }
.LBB2_1:
0xd: {  	[tilespmem:s1], [sflag:$0x3] =	stream.linear.gather [hbm4b:s4+s1], $0xFA00, $0x38;
	[tilespmem:$0x1AC00] =	vst v63  }
0xe: {  	_ =	swait.ge [sflag:s8], $0xFA00  }
0xf: {  	[sflag:s8] =	ssyncset.done $0x0  }
0x10: {  	[sflag:s8] =	ssyncadd.s32 $0xFFFF0600  }
0x11: {  	[tilespmem:s9], [sflag:$0x3] =	stream.linear.gather [hbm4b:s6+s1], $0x3200, $0x38;
	[tilespmem:$0x1AC00] =	vst v63  }
0x12: {  	_ =	swait.ge [sflag:s8], $0x3200  }
0x13: {  	[sflag:s8] =	ssyncset.done $0x0  }
0x14: {  	s15 =	simm.s32 $0x0;
	[sflag:s8] =	ssyncadd.s32 $0xFFFFCE00  }
.LBB2_2:
0x15: {  	p0 =	seq.s32 s15, $0x0  }
0x16: {  	s16 =	simm.s32 @!p0 $0x1  }
0x17: {  	_ =	swait.ge @!p0 [sflag:s16], $0x4000  }
0x18: {  	[sflag:s16] =	ssyncset.done @!p0 $0x0  }
0x19: {  	[sflag:s16] =	ssyncadd.s32 @!p0 $0xFFFFC000;
	s16 =	sshll.u32 s15, $0x9  }
0x1a: {  	s18 =	simm.s32 $0x0;
	s19 =	simm.s32 $0x0;
	s17 =	sadd.s32 $0xFA00, s16  }
.LBB2_3:
0x1b: {  	s20 =	sshll.u32 s19, $0x4  }
0x1c: {  	s21 =	sand.u32 $0x80, s20  }
0x1d: {  	s20 =	sand.u32 $0x70, s20;
	s21 =	sadd.s32 s21, s17  }
0x1e: {  	s20 =	sadd.s32 s20, s21  }
0x1f: {  	s25 =	sshll.u32 s19, $0xA;
	v5 =	vld [tilespmem:s20+$0x0]  }
0x20: {  	s26 =	simm.s32 $0x1;
	s28 =	simm.s32 $0x2;
	s22 =	simm.s32 $0x4;
	v55 =	vmov s18;
	v11 =	vor.u32 s25, v3;
	v13 =	vor.u32 s25, v4  }
0x21: {  	s29 =	simm.s32 $0x5;
	s30 =	simm.s32 $0x7;
	s31 =	simm.s32 $0x8;
	v14 =	vadd.s32 s26, v0;
	v15 =	vadd.s32 s28, v0;
	v16 =	vadd.s32 s22, v0  }
0x22: {  	s23 =	simm.s32 $0xB;
	s24 =	simm.s32 $0xD;
	v17 =	vadd.s32 s29, v0;
	v18 =	vadd.s32 s30, v0;
	v19 =	vadd.s32 s31, v0  }
0x23: {  	s22 =	simm.s32 $0xA;
	v22 =	vadd.s32 s23, v0;
	v21 =	vadd.s32 s24, v0;
	v55 =	vmul.u32 $0x3E8, v55  }
0x24: {  	s25 =	simm.s32 $0xE;
	v20 =	vadd.s32 s22, v0;
	v15 =	vand.u32 $0x3F, v15;
	v5 =	vadd.f32 $6.000000000e+00, v5  }
0x25: {  	s26 =	simm.s32 $0x9;
	v23 =	vadd.s32 s25, v0;
	v18 =	vand.u32 $0x3F, v18;
	v24 =	vand.u32 $0x3F, v21  }
0x26: {  	s28 =	simm.s32 $0x3;
	v25 =	vadd.s32 s26, v0;
	v27 =	vand.u32 $0x3F, v14;
	v5 =	vmul.f32 v5, v1  }
0x27: {  	s30 =	simm.s32 $0xF;
	v14 =	vadd.s32 s28, v0;
	v19 =	vand.u32 $0x3F, v19;
	v22 =	vand.u32 $0x3F, v22  }
0x28: {  	s31 =	simm.s32 $0x6;
	v39 =	vadd.s32 s30, v0;
	v42 =	vand.u32 $0x3F, v17;
	v5 =	vmul.f32 $9.990000000e+02, v5  }
0x29: {  	s29 =	simm.s32 $0xC;
	v44 =	vadd.s32 s31, v0;
	v21 =	vand.u32 $0x3F, v23;
	v25 =	vand.u32 $0x3F, v25  }
0x2a: {  	v23 =	vadd.s32 s29, v0;
	v28 =	vmul.u32 $0x3E8, v24;
	v5 =	vmax.f32 v5, $0.0e+00  }
0x2b: {  	v29 =	vmul.u32 $0x3E8, v27;
	v30 =	vmul.u32 $0x3E8, v18;
	v5 =	vmin.f32 v5, $9.990000000e+02  }
0x2c: {  	v20 =	vand.u32 $0x3F, v20;
	v36 =	vmul.u32 $0x3E8, v22;
	v6 =	vtrunc.f32 v5  }
0x2d: {  	v40 =	vand.u32 $0x3F, v14;
	v14 =	vor.u32 v15, v13;
	v8 =	vcvt.f32.s32 v6  }
0x2e: {  	v44 =	vand.u32 $0x3F, v44;
	v45 =	vmul.u32 $0x3E8, v19;
	v15 =	vmul.u32 $0x3E8, v15  }
0x2f: {  	v24 =	vor.u32 v24, v13;
	v26 =	vmul.u32 $0x3E8, v25;
	v31 =	vadd.s32 v8, v28  }
0x30: {  	v33 =	vmul.u32 $0x3E8, v20;
	v7 =	vadd.s32 $0x1, v8;
	v38 =	vadd.s32 v8, v36  }
0x31: {  	v37 =	vand.u32 $0x3F, v23;
	v34 =	vadd.s32 v8, v29;
	vm0 =	vlt.s32 v7, $0x3E7  }
0x32: {  	v43 =	vmul.u32 $0x3E8, v40;
	v23 =	vadd.s32 v8, v33;
	v9 =	vnsel vm0, $0x3E7, v7  }
0x33: {  	v48 =	vmul.u32 $0x3E8, v44;
	v49 =	vmul.u32 $0x3E8, v21;
	v28 =	vadd.s32 v9, v28  }
0x34: {  	v41 =	vmul.u32 $0x3E8, v37;
	v6 =	vcvt.s32.f32 v8;
	v33 =	vadd.s32 v9, v33;
	v17 =	vld.idx.msk [tilespmem:v31+s1+$0x0], $0xffff  }
0x35: {  	v10 =	vadd.s32 v2, v8;
	v51 =	vadd.s32 v8, v48;
	v32 =	vadd.s32 v9, v30;
	v38 =	vld.idx.msk [tilespmem:v38+s1+$0x0], $0xffff  }
0x36: {  	v56 =	vadd.s32 v8, v15;
	v6 =	vsub.f32 v5, v6;
	v35 =	vadd.s32 v9, v26;
	v50 =	vld.idx.msk [tilespmem:v34+s1+$0x0], $0xffff  }
0x37: {  	v7 =	vor.u32 s18, v11;
	v12 =	vadd.s32 v2, v9;
	v47 =	vadd.s32 v9, v43;
	v52 =	vld.idx.msk [tilespmem:v23+s1+$0x0], $0xffff  }
0x38: {  	v36 =	vadd.s32 v9, v36;
	v48 =	vadd.s32 v9, v48;
	v54 =	vadd.s32 v9, v49;
	v28 =	vld.idx.msk [tilespmem:v28+s1+$0x0], $0xffff  }
0x39: {  	v58 =	vadd.s32 v9, v15;
	v29 =	vadd.s32 v9, v29;
	v31 =	vand.u32 $0x3F, v39;
	v33 =	vld.idx.msk [tilespmem:v33+s1+$0x0], $0xffff  }
0x3a: {  	v39 =	vand.u32 $0x3F, v16;
	v16 =	vadd.s32 v9, v41;
	v41 =	vadd.s32 v8, v41;
	v53 =	vld.idx.msk [tilespmem:v32+s1+$0x0], $0xffff  }
0x3b: {  	v26 =	vadd.s32 v8, v26;
	v15 =	vor.u32 v18, v13;
	v46 =	vmul.u32 $0x3E8, v31;
	v35 =	vld.idx.msk [tilespmem:v35+s1+$0x0], $0xffff  }
0x3c: {  	v5 =	vsub.f32 $1.000000000e+00, v6;
	v34 =	vadd.s32 v8, v43;
	v23 =	vmul.u32 $0x3E8, v39;
	v47 =	vld.idx.msk [tilespmem:v47+s1+$0x0], $0xffff  }
0x3d: {  	v43 =	vadd.s32 v8, v46;
	v32 =	vadd.s32 v8, v45;
	v45 =	vadd.s32 v9, v45;
	v36 =	vld.idx.msk [tilespmem:v36+s1+$0x0], $0xffff  }
0x3e: {  	v46 =	vadd.s32 v9, v46;
	v59 =	vadd.s32 v9, v23;
	v29 =	vld.idx.msk [tilespmem:v29+s1+$0x0], $0xffff;
	v57 =	vmul.f32 v17, v5  }
0x3f: {  	v41 =	vld.idx.msk [tilespmem:v41+s1+$0x0], $0xffff;
	v17 =	vadd.s32 v8, v23;
	v23 =	vor.u32 v31, v13;
	v31 =	vmul.f32 v52, v5  }
0x40: {  	v52 =	vor.u32 v20, v13;
	v60 =	vld.idx.msk [tilespmem:v16+s1+$0x0], $0xffff;
	v20 =	vor.u32 v22, v13;
	v16 =	vor.u32 v40, v13  }
0x41: {  	v62 =	vld.idx.msk [tilespmem:v48+s1+$0x0], $0xffff;
	v63 =	vmul.f32 v38, v5;
	v50 =	vmul.f32 v50, v5;
	v38 =	vor.u32 v37, v13  }
0x42: {  	v28 =	vmul.f32 v28, v6;
	v18 =	vld.idx.msk [tilespmem:v45+s1+$0x0], $0xffff;
	v33 =	vmul.f32 v33, v6;
	v45 =	vadd.s32 v10, v55  }
0x43: {  	v46 =	vld.idx.msk [tilespmem:v46+s1+$0x0], $0xffff;
	v55 =	vadd.s32 v12, v55;
	v36 =	vmul.f32 v36, v6;
	v48 =	vmul.f32 v35, v6  }
0x44: {  	v22 =	vld.idx.msk [tilespmem:v32+s1+$0x0], $0xffff;
	v29 =	vmul.f32 v29, v6;
	v28 =	vadd.f32 v28, v57;
	v57 =	vmul.u32 $0x3E8, v42  }
0x45: {  	v31 =	vadd.f32 v33, v31;
	v40 =	vmul.f32 v41, v5;
	v41 =	vld.idx.msk [tilespmem:v43+s1+$0x0], $0xffff;
	v33 =	vor.u32 v44, v13  }
0x46: {  	v43 =	vld.idx.msk [tilespmem:v34+s1+$0x0], $0xffff;
	v44 =	vadd.s32 v8, v30;
	v34 =	vadd.s32 v8, v49;
	v29 =	vadd.f32 v29, v50  }
0x47: {  	v61 =	vadd.s32 v8, v57;
	[tilespmem:v24+s10+$0x0] =	vst.idx.msk $0xffff, v28;
	v32 =	vadd.s32 v9, v57;
	v24 =	vld.idx.msk [tilespmem:v26+s1+$0x0], $0xffff  }
0x48: {  	v26 =	vmul.f32 v60, v6;
	v28 =	vadd.f32 v36, v63;
	v63 =	vld.idx.msk [tilespmem:v51+s1+$0x0], $0xffff;
	v60 =	vmul.f32 v62, v6  }
0x49: {  	[tilespmem:v52+s10+$0x0] =	vst.idx.msk $0xffff, v31;
	v51 =	vld.idx.msk [tilespmem:v54+s1+$0x0], $0xffff;
	v62 =	vmul.f32 v47, v6;
	v31 =	vmul.f32 v46, v6  }
0x4a: {  	v22 =	vmul.f32 v22, v5;
	v30 =	vmul.f32 v18, v6;
	v18 =	vor.u32 v39, v13;
	v39 =	vld.idx.msk [tilespmem:v56+s1+$0x0], $0xffff  }
0x4b: {  	v35 =	vadd.f32 v26, v40;
	v26 =	vor.u32 v19, v13;
	v40 =	vld.idx.msk [tilespmem:v58+s1+$0x0], $0xffff;
	v58 =	vor.u32 v25, v13  }
0x4c: {  	v25 =	vld.idx.msk [tilespmem:v45+s1+$0x0], $0xffff;
	v19 =	vor.u32 v42, v13;
	v57 =	vmul.f32 v41, v5;
	v24 =	vmul.f32 v24, v5  }
0x4d: {  	v42 =	vld.idx.msk [tilespmem:v55+s1+$0x0], $0xffff;
	v36 =	vadd.f32 v30, v22;
	v22 =	vor.u32 v27, v13;
	v27 =	vmul.f32 v43, v5  }
0x4e: {  	v41 =	vld.idx.msk [tilespmem:v59+s1+$0x0], $0xffff;
	v30 =	vor.u32 v21, v13;
	v63 =	vmul.f32 v63, v5;
	v48 =	vadd.f32 v48, v24  }
0x4f: {  	v21 =	vld.idx.msk [tilespmem:v44+s1+$0x0], $0xffff;
	v43 =	vadd.f32 v31, v57;
	v27 =	vadd.f32 v62, v27;
	v31 =	vmul.f32 v53, v6  }
0x50: {  	s23 =	simm.s32 $0x10;
	v37 =	vmul.f32 v51, v6;
	v24 =	vld.idx.msk [tilespmem:v61+s1+$0x0], $0xffff;
	v44 =	vadd.f32 v60, v63;
	[tilespmem:v58+s10+$0x0] =	vst.idx.msk $0xffff, v48  }
.LBB2_4:
0x51: {  	s20 =	sadd.s32 $0x1, s23  }
0x52: {  	s22 =	sadd.s32 $0x2, s23;
	s24 =	sadd.s32 $0x3, s23;
	v39 =	vmul.f32 v39, v5;
	v40 =	vmul.f32 v40, v6;
	v32 =	vld.idx.msk [tilespmem:v32+s1+$0x0], $0xffff;
	[tilespmem:v23+s10+$0x0] =	vst.idx.msk $0xffff, v43;
	s21 =	smov.u32 s23  }
0x53: {  	v23 =	vor.u32 s23, v11;
	s25 =	sadd.s32 $0x5, s23;
	v43 =	vadd.s32 s20, v0;
	v45 =	vadd.s32 s22, v0;
	s20 =	sadd.s32 $0x4, s23;
	s22 =	sadd.s32 $0x6, s23;
	[tilespmem:v33+s10+$0x0] =	vst.idx.msk $0xffff, v44  }
0x54: {  	s26 =	sadd.s32 $0x9, s23;
	v44 =	vadd.s32 s25, v0;
	s25 =	sadd.s32 $0x8, s23;
	v41 =	vmul.f32 v41, v6;
	v33 =	vadd.s32 s20, v0;
	s20 =	sadd.s32 $0x7, s23;
	[tilespmem:v38+s10+$0x0] =	vst.idx.msk $0xffff, v35;
	v34 =	vld.idx.msk [tilespmem:v34+s1+$0x0], $0xffff  }
0x55: {  	s28 =	sadd.s32 $0xC, s23;
	v46 =	vmul.f32 v25, v5;
	v38 =	vadd.s32 s25, v0;
	s25 =	sadd.s32 $0xB, s23;
	v35 =	vadd.s32 s20, v0;
	s20 =	sadd.s32 $0xA, s23;
	[tilespmem:v26+s10+$0x0] =	vst.idx.msk $0xffff, v36  }
0x56: {  	s29 =	sadd.s32 $0xE, s21;
	v48 =	vmul.f32 v21, v5;
	v47 =	vadd.s32 s25, v0;
	s25 =	sadd.s32 $0xD, s21;
	v36 =	vadd.s32 s20, v0;
	s20 =	sadd.s32 $0x10, s23;
	[tilespmem:v20+s10+$0x0] =	vst.idx.msk $0xffff, v28  }
0x57: {  	p1 =	slt.u32 s23, $0x30;
	v45 =	vand.u32 $0x3F, v45;
	v25 =	vadd.s32 s29, v0;
	v21 =	vadd.s32 s25, v0  }
0x58: {  	v26 =	vmul.f32 v42, v6;
	v20 =	vand.u32 $0x3F, v35;
	v35 =	vand.u32 $0x3F, v21  }
0x59: {  	v28 =	vadd.s32 s26, v0;
	v42 =	vmul.f32 v24, v5;
	v21 =	vand.u32 $0x3F, v25  }
0x5a: {  	v25 =	vand.u32 $0x3F, v43;
	v24 =	vand.u32 $0x3F, v28;
	v32 =	vmul.f32 v32, v6;
	v17 =	vld.idx.msk [tilespmem:v17+s1+$0x0], $0xffff  }
0x5b: {  	v49 =	vadd.s32 s28, v0;
	v43 =	vadd.s32 s24, v0;
	v46 =	vadd.f32 v26, v46  }
0x5c: {  	v50 =	vmul.u32 $0x3E8, v24;
	v51 =	vmul.u32 $0x3E8, v35;
	v34 =	vmul.f32 v34, v5  }
0x5d: {  	v28 =	vmul.u32 $0x3E8, v20;
	v26 =	vand.u32 $0x3F, v38;
	v52 =	vmul.u32 $0x3E8, v25  }
0x5e: {  	v38 =	vadd.s32 v8, v51;
	v51 =	vadd.s32 v9, v51;
	v34 =	vadd.f32 v37, v34  }
0x5f: {  	v47 =	vand.u32 $0x3F, v47;
	v36 =	vand.u32 $0x3F, v36;
	v37 =	vadd.s32 v9, v28;
	[tilespmem:v7+s10+$0x0] =	vst.idx.msk $0xffff, v46;
	v7 =	vmovc v23  }
0x60: {  	s23 =	sadd.s32 $0xF, s21;
	v53 =	vmul.u32 $0x3E8, v36;
	v23 =	vadd.s32 v8, v52;
	v46 =	vadd.s32 v9, v50;
	[tilespmem:v30+s10+$0x0] =	vst.idx.msk $0xffff, v34  }
0x61: {  	v32 =	vadd.f32 v32, v42;
	v34 =	vmul.u32 $0x3E8, v47;
	v30 =	vand.u32 $0x3F, v49  }
0x62: {  	v31 =	vadd.f32 v31, v48;
	v42 =	vadd.s32 v8, v53;
	v49 =	vadd.s32 v9, v53  }
0x63: {  	v53 =	vadd.s32 s23, v0;
	v48 =	vadd.s32 v8, v34;
	v34 =	vadd.s32 v9, v34;
	[tilespmem:v22+s10+$0x0] =	vst.idx.msk $0xffff, v29  }
0x64: {  	v39 =	vadd.f32 v40, v39;
	v22 =	vand.u32 $0x3F, v43;
	v43 =	vmul.u32 $0x3E8, v30;
	[tilespmem:v15+s10+$0x0] =	vst.idx.msk $0xffff, v31  }
0x65: {  	v29 =	vand.u32 $0x3F, v44;
	v31 =	vand.u32 $0x3F, v53;
	v15 =	vld.idx.msk [tilespmem:v38+s1+$0x0], $0xffff;
	[tilespmem:v16+s10+$0x0] =	vst.idx.msk $0xffff, v27;
	v16 =	vmul.f32 v17, v5  }
0x66: {  	v17 =	vor.u32 v45, v13;
	v27 =	vand.u32 $0x3F, v33;
	v33 =	vadd.s32 v9, v43;
	v38 =	vld.idx.msk [tilespmem:v51+s1+$0x0], $0xffff  }
0x67: {  	v44 =	vadd.s32 s22, v0;
	v40 =	vmul.u32 $0x3E8, v22;
	[tilespmem:v14+s10+$0x0] =	vst.idx.msk $0xffff, v39;
	v16 =	vadd.f32 v41, v16;
	v14 =	vmovc v17  }
0x68: {  	v39 =	vand.u32 $0x3F, v44;
	v17 =	vmul.u32 $0x3E8, v26;
	v44 =	vmul.u32 $0x3E8, v31;
	v41 =	vld.idx.msk [tilespmem:v49+s1+$0x0], $0xffff;
	[tilespmem:v19+s10+$0x0] =	vst.idx.msk $0xffff, v32  }
0x69: {  	v19 =	vadd.s32 v9, v40;
	v32 =	vmul.u32 $0x3E8, v39;
	v49 =	vmul.u32 $0x3E8, v21;
	v48 =	vld.idx.msk [tilespmem:v48+s1+$0x0], $0xffff;
	[tilespmem:v18+s10+$0x0] =	vst.idx.msk $0xffff, v16  }
0x6a: {  	v40 =	vadd.s32 v8, v40;
	v16 =	vadd.s32 v8, v43;
	v43 =	vadd.s32 v8, v44;
	v18 =	vld.idx.msk [tilespmem:v23+s1+$0x0], $0xffff  }
0x6b: {  	v51 =	vadd.s32 v8, v32;
	v53 =	vadd.s32 v9, v32;
	v32 =	vld.idx.msk [tilespmem:v42+s1+$0x0], $0xffff;
	v42 =	vadd.s32 v9, v44  }
0x6c: {  	v23 =	vmul.u32 $0x3E8, v45;
	v45 =	vadd.s32 v9, v49;
	v44 =	vadd.s32 v8, v17;
	v37 =	vld.idx.msk [tilespmem:v37+s1+$0x0], $0xffff  }
0x6d: {  	v54 =	vmov s21;
	v55 =	vadd.s32 v9, v17;
	v38 =	vmul.f32 v38, v6;
	v46 =	vld.idx.msk [tilespmem:v46+s1+$0x0], $0xffff  }
0x6e: {  	v15 =	vmul.f32 v15, v5;
	v56 =	vadd.s32 v8, v23;
	v57 =	vld.idx.msk [tilespmem:v19+s1+$0x0], $0xffff;
	v19 =	vmul.u32 $0x3E8, v27  }
0x6f: {  	v35 =	vor.u32 v35, v13;
	v50 =	vadd.s32 v8, v50;
	v58 =	vadd.s32 v9, v23;
	v59 =	vld.idx.msk [tilespmem:v16+s1+$0x0], $0xffff  }
0x70: {  	v23 =	vor.u32 v31, v13;
	v17 =	vadd.s32 v8, v19;
	v60 =	vadd.s32 v9, v19;
	v19 =	vld.idx.msk [tilespmem:v34+s1+$0x0], $0xffff  }
0x71: {  	v31 =	vmul.f32 v32, v5;
	v34 =	vor.u32 v36, v13;
	v32 =	vadd.f32 v38, v15;
	v36 =	vld.idx.msk [tilespmem:v42+s1+$0x0], $0xffff  }
0x72: {  	v38 =	vmul.u32 $0x3E8, v54;
	v42 =	vadd.s32 v9, v52;
	v52 =	vmul.u32 $0x3E8, v29;
	v54 =	vld.idx.msk [tilespmem:v33+s1+$0x0], $0xffff  }
0x73: {  	v15 =	vor.u32 v20, v13;
	v20 =	vor.u32 v47, v13;
	v33 =	vmul.f32 v41, v6;
	v55 =	vld.idx.msk [tilespmem:v55+s1+$0x0], $0xffff  }
0x74: {  	v16 =	vor.u32 v22, v13;
	v41 =	vadd.s32 v10, v38;
	v47 =	vadd.s32 v8, v52;
	v22 =	vld.idx.msk [tilespmem:v44+s1+$0x0], $0xffff  }
0x75: {  	v44 =	vadd.s32 v12, v38;
	v31 =	vadd.f32 v33, v31;
	v38 =	vmul.f32 v59, v5;
	v43 =	vld.idx.msk [tilespmem:v43+s1+$0x0], $0xffff  }
0x76: {  	v19 =	vmul.f32 v19, v6;
	v59 =	vld.idx.msk [tilespmem:v40+s1+$0x0], $0xffff;
	v40 =	vmul.f32 v48, v5;
	[tilespmem:v35+s10+$0x0] =	vst.idx.msk $0xffff, v32  }
0x77: {  	v32 =	vadd.s32 v9, v52;
	v48 =	vld.idx.msk [tilespmem:v50+s1+$0x0], $0xffff;
	[tilespmem:v34+s10+$0x0] =	vst.idx.msk $0xffff, v31;
	v31 =	vmul.f32 v36, v6  }
0x78: {  	v33 =	vor.u32 v39, v13;
	v52 =	vadd.s32 v8, v28;
	v35 =	vmul.f32 v54, v6;
	v50 =	vld.idx.msk [tilespmem:v53+s1+$0x0], $0xffff  }
0x79: {  	v46 =	vmul.f32 v46, v6;
	v34 =	vadd.s32 v8, v49;
	v28 =	vadd.f32 v19, v40;
	v42 =	vld.idx.msk [tilespmem:v42+s1+$0x0], $0xffff  }
0x7a: {  	v19 =	vmul.f32 v22, v5;
	v22 =	vmul.f32 v55, v6;
	v35 =	vadd.f32 v35, v38;
	v49 =	vld.idx.msk [tilespmem:v51+s1+$0x0], $0xffff  }
0x7b: {  	v51 =	vmul.f32 v18, v5;
	v18 =	vor.u32 v27, v13;
	v27 =	vmul.f32 v43, v5;
	v45 =	vld.idx.msk [tilespmem:v45+s1+$0x0], $0xffff  }
0x7c: {  	v26 =	vor.u32 v26, v13;
	v38 =	vor.u32 v30, v13;
	v36 =	vadd.f32 v22, v19;
	v39 =	vld.idx.msk [tilespmem:v56+s1+$0x0], $0xffff  }
0x7d: {  	v22 =	vor.u32 v25, v13;
	v43 =	vmul.f32 v48, v5;
	v48 =	vor.u32 v24, v13;
	v40 =	vld.idx.msk [tilespmem:v58+s1+$0x0], $0xffff  }
.Ltmp0:
0x7e: {  	v19 =	vor.u32 v29, v13;
	v24 =	vmul.f32 v59, v5;
	v50 =	vmul.f32 v50, v6;
	v25 =	vld.idx.msk [tilespmem:v41+s1+$0x0], $0xffff;
	(pc) =	sbr.rel @p1 .LBB2_4-.Ltmp0, $4  }
0x7f: {  	v53 =	vmul.f32 v57, v6;
	v30 =	vor.u32 v21, v13;
	v29 =	vmul.f32 v42, v6;
	v41 =	vld.idx.msk [tilespmem:v60+s1+$0x0], $0xffff  }
0x80: {  	v46 =	vadd.f32 v46, v43;
	v43 =	vadd.f32 v31, v27;
	v49 =	vmul.f32 v49, v5;
	v21 =	vld.idx.msk [tilespmem:v52+s1+$0x0], $0xffff  }
0x81: {  	v27 =	vadd.f32 v53, v24;
	v31 =	vmul.f32 v37, v6;
	v29 =	vadd.f32 v29, v51;
	v42 =	vld.idx.msk [tilespmem:v44+s1+$0x0], $0xffff  }
0x82: {  	s23 =	smov.u32 s20;
	v37 =	vmul.f32 v45, v6;
	v44 =	vadd.f32 v50, v49;
	v24 =	vld.idx.msk [tilespmem:v47+s1+$0x0], $0xffff;
	[tilespmem:v48+s10+$0x0] =	vst.idx.msk $0xffff, v46  }
0x83: {  	_ =	sdelay $0x3  }
0x84: {  	[tilespmem:v23+s10+$0x0] =	vst.idx.msk $0xffff, v43  }
0x85: {  	[tilespmem:v38+s10+$0x0] =	vst.idx.msk $0xffff, v35  }
0x86: {  	v8 =	vld.idx.msk [tilespmem:v34+s1+$0x0], $0xffff;
	[tilespmem:v26+s10+$0x0] =	vst.idx.msk $0xffff, v36  }
0x87: {  	v9 =	vmul.f32 v25, v5;
	v11 =	vld.idx.msk [tilespmem:v32+s1+$0x0], $0xffff;
	[tilespmem:v20+s10+$0x0] =	vst.idx.msk $0xffff, v28;
	v13 =	vmul.f32 v39, v5  }
0x88: {  	v12 =	vld.idx.msk [tilespmem:v17+s1+$0x0], $0xffff;
	v60 =	vmul.f32 v40, v6;
	[tilespmem:v22+s10+$0x0] =	vst.idx.msk $0xffff, v29;
	v10 =	vmul.f32 v42, v6  }
0x89: {  	[tilespmem:v16+s10+$0x0] =	vst.idx.msk $0xffff, v27;
	v59 =	vmul.f32 v21, v5  }
0x8a: {  	[tilespmem:v33+s10+$0x0] =	vst.idx.msk $0xffff, v44;
	v63 =	vadd.f32 v60, v13;
	v9 =	vadd.f32 v10, v9  }
0x8b: {  	s19 =	sadd.s32 $0x1, s19;
	v61 =	vadd.f32 v31, v59;
	v62 =	vmul.f32 v24, v5;
	v8 =	vmul.f32 v8, v5  }
0x8c: {  	p1 =	sne.s32 s19, $0x10;
	[tilespmem:v7+s10+$0x0] =	vst.idx.msk $0xffff, v9;
	v7 =	vmul.f32 v41, v6;
	v6 =	vmul.f32 v11, v6  }
.Ltmp1:
0x8d: {  	[tilespmem:v14+s10+$0x0] =	vst.idx.msk $0xffff, v63;
	v5 =	vmul.f32 v12, v5;
	v8 =	vadd.f32 v37, v8;
	(pc) =	sbr.rel @p1 .LBB2_3-.Ltmp1, $4  }
0x8e: {  	[tilespmem:v15+s10+$0x0] =	vst.idx.msk $0xffff, v61;
	v6 =	vadd.f32 v6, v62  }
0x8f: {  	[tilespmem:v30+s10+$0x0] =	vst.idx.msk $0xffff, v8;
	v5 =	vadd.f32 v7, v5  }
0x90: {  	[tilespmem:v19+s10+$0x0] =	vst.idx.msk $0xffff, v6  }
0x91: {  	[tilespmem:v18+s10+$0x0] =	vst.idx.msk $0xffff, v5  }
0x92: {  	s17 =	sadd.s32 s3, s16  }
0x93: {  	s17 =	sshll.u32 s17, $0x3  }
0x94: {  	s17 =	sadd.s32 s5, s17  }
0x95: {  	[hbm4b:s17+s1] =	stream.linear.scatter [tilespmem:s10], [sflag:$0x1], $0x4000, $0x38;
	[tilespmem:$0x1AC00] =	vst v63  }
0x96: {  	s17 =	simm.s32 @!p0 $0x2  }
0x97: {  	_ =	swait.ge @!p0 [sflag:s17], $0x4000  }
0x98: {  	s16 =	sor.u32 $0x100, s16;
	s18 =	simm.s32 $0x0;
	[sflag:s17] =	ssyncset.done @!p0 $0x0  }
0x99: {  	s19 =	simm.s32 $0x0;
	[sflag:s17] =	ssyncadd.s32 @!p0 $0xFFFFC000;
	s17 =	sadd.s32 $0xFA00, s16  }
.LBB2_7:
0x9a: {  	s20 =	sshll.u32 s19, $0x4  }
0x9b: {  	s21 =	sand.u32 $0x80, s20  }
0x9c: {  	s20 =	sand.u32 $0x70, s20;
	s21 =	sadd.s32 s21, s17  }
0x9d: {  	s20 =	sadd.s32 s20, s21  }
0x9e: {  	s25 =	sshll.u32 s19, $0xA;
	v5 =	vld [tilespmem:s20+$0x0]  }
0x9f: {  	s26 =	simm.s32 $0x1;
	s28 =	simm.s32 $0x2;
	s22 =	simm.s32 $0x4;
	v55 =	vmov s18;
	v11 =	vor.u32 s25, v3;
	v13 =	vor.u32 s25, v4  }
0xa0: {  	s29 =	simm.s32 $0x5;
	s30 =	simm.s32 $0x7;
	s31 =	simm.s32 $0x8;
	v14 =	vadd.s32 s26, v0;
	v15 =	vadd.s32 s28, v0;
	v16 =	vadd.s32 s22, v0  }
0xa1: {  	s23 =	simm.s32 $0xB;
	s24 =	simm.s32 $0xD;
	v17 =	vadd.s32 s29, v0;
	v18 =	vadd.s32 s30, v0;
	v19 =	vadd.s32 s31, v0  }
0xa2: {  	s22 =	simm.s32 $0xA;
	v22 =	vadd.s32 s23, v0;
	v21 =	vadd.s32 s24, v0;
	v55 =	vmul.u32 $0x3E8, v55  }
0xa3: {  	s25 =	simm.s32 $0xE;
	v20 =	vadd.s32 s22, v0;
	v15 =	vand.u32 $0x3F, v15;
	v5 =	vadd.f32 $6.000000000e+00, v5  }
0xa4: {  	s26 =	simm.s32 $0x9;
	v23 =	vadd.s32 s25, v0;
	v18 =	vand.u32 $0x3F, v18;
	v24 =	vand.u32 $0x3F, v21  }
0xa5: {  	s28 =	simm.s32 $0x3;
	v25 =	vadd.s32 s26, v0;
	v27 =	vand.u32 $0x3F, v14;
	v5 =	vmul.f32 v5, v1  }
0xa6: {  	s30 =	simm.s32 $0xF;
	v14 =	vadd.s32 s28, v0;
	v19 =	vand.u32 $0x3F, v19;
	v22 =	vand.u32 $0x3F, v22  }
0xa7: {  	s31 =	simm.s32 $0x6;
	v39 =	vadd.s32 s30, v0;
	v42 =	vand.u32 $0x3F, v17;
	v5 =	vmul.f32 $9.990000000e+02, v5  }
0xa8: {  	s29 =	simm.s32 $0xC;
	v44 =	vadd.s32 s31, v0;
	v21 =	vand.u32 $0x3F, v23;
	v25 =	vand.u32 $0x3F, v25  }
0xa9: {  	v23 =	vadd.s32 s29, v0;
	v28 =	vmul.u32 $0x3E8, v24;
	v5 =	vmax.f32 v5, $0.0e+00  }
0xaa: {  	v29 =	vmul.u32 $0x3E8, v27;
	v30 =	vmul.u32 $0x3E8, v18;
	v5 =	vmin.f32 v5, $9.990000000e+02  }
0xab: {  	v20 =	vand.u32 $0x3F, v20;
	v36 =	vmul.u32 $0x3E8, v22;
	v6 =	vtrunc.f32 v5  }
0xac: {  	v40 =	vand.u32 $0x3F, v14;
	v14 =	vor.u32 v15, v13;
	v8 =	vcvt.f32.s32 v6  }
0xad: {  	v44 =	vand.u32 $0x3F, v44;
	v45 =	vmul.u32 $0x3E8, v19;
	v15 =	vmul.u32 $0x3E8, v15  }
0xae: {  	v24 =	vor.u32 v24, v13;
	v26 =	vmul.u32 $0x3E8, v25;
	v31 =	vadd.s32 v8, v28  }
0xaf: {  	v33 =	vmul.u32 $0x3E8, v20;
	v7 =	vadd.s32 $0x1, v8;
	v38 =	vadd.s32 v8, v36  }
0xb0: {  	v37 =	vand.u32 $0x3F, v23;
	v34 =	vadd.s32 v8, v29;
	vm0 =	vlt.s32 v7, $0x3E7  }
0xb1: {  	v43 =	vmul.u32 $0x3E8, v40;
	v23 =	vadd.s32 v8, v33;
	v9 =	vnsel vm0, $0x3E7, v7  }
0xb2: {  	v48 =	vmul.u32 $0x3E8, v44;
	v49 =	vmul.u32 $0x3E8, v21;
	v28 =	vadd.s32 v9, v28  }
0xb3: {  	v41 =	vmul.u32 $0x3E8, v37;
	v6 =	vcvt.s32.f32 v8;
	v33 =	vadd.s32 v9, v33;
	v17 =	vld.idx.msk [tilespmem:v31+s1+$0x0], $0xffff  }
0xb4: {  	v10 =	vadd.s32 v2, v8;
	v51 =	vadd.s32 v8, v48;
	v32 =	vadd.s32 v9, v30;
	v38 =	vld.idx.msk [tilespmem:v38+s1+$0x0], $0xffff  }
0xb5: {  	v56 =	vadd.s32 v8, v15;
	v6 =	vsub.f32 v5, v6;
	v35 =	vadd.s32 v9, v26;
	v50 =	vld.idx.msk [tilespmem:v34+s1+$0x0], $0xffff  }
0xb6: {  	v7 =	vor.u32 s18, v11;
	v12 =	vadd.s32 v2, v9;
	v47 =	vadd.s32 v9, v43;
	v52 =	vld.idx.msk [tilespmem:v23+s1+$0x0], $0xffff  }
0xb7: {  	v36 =	vadd.s32 v9, v36;
	v48 =	vadd.s32 v9, v48;
	v54 =	vadd.s32 v9, v49;
	v28 =	vld.idx.msk [tilespmem:v28+s1+$0x0], $0xffff  }
0xb8: {  	v58 =	vadd.s32 v9, v15;
	v29 =	vadd.s32 v9, v29;
	v31 =	vand.u32 $0x3F, v39;
	v33 =	vld.idx.msk [tilespmem:v33+s1+$0x0], $0xffff  }
0xb9: {  	v39 =	vand.u32 $0x3F, v16;
	v16 =	vadd.s32 v9, v41;
	v41 =	vadd.s32 v8, v41;
	v53 =	vld.idx.msk [tilespmem:v32+s1+$0x0], $0xffff  }
0xba: {  	v26 =	vadd.s32 v8, v26;
	v15 =	vor.u32 v18, v13;
	v46 =	vmul.u32 $0x3E8, v31;
	v35 =	vld.idx.msk [tilespmem:v35+s1+$0x0], $0xffff  }
0xbb: {  	v5 =	vsub.f32 $1.000000000e+00, v6;
	v34 =	vadd.s32 v8, v43;
	v23 =	vmul.u32 $0x3E8, v39;
	v47 =	vld.idx.msk [tilespmem:v47+s1+$0x0], $0xffff  }
0xbc: {  	v43 =	vadd.s32 v8, v46;
	v32 =	vadd.s32 v8, v45;
	v45 =	vadd.s32 v9, v45;
	v36 =	vld.idx.msk [tilespmem:v36+s1+$0x0], $0xffff  }
0xbd: {  	v46 =	vadd.s32 v9, v46;
	v59 =	vadd.s32 v9, v23;
	v29 =	vld.idx.msk [tilespmem:v29+s1+$0x0], $0xffff;
	v57 =	vmul.f32 v17, v5  }
0xbe: {  	v41 =	vld.idx.msk [tilespmem:v41+s1+$0x0], $0xffff;
	v17 =	vadd.s32 v8, v23;
	v23 =	vor.u32 v31, v13;
	v31 =	vmul.f32 v52, v5  }
0xbf: {  	v52 =	vor.u32 v20, v13;
	v60 =	vld.idx.msk [tilespmem:v16+s1+$0x0], $0xffff;
	v20 =	vor.u32 v22, v13;
	v16 =	vor.u32 v40, v13  }
0xc0: {  	v62 =	vld.idx.msk [tilespmem:v48+s1+$0x0], $0xffff;
	v63 =	vmul.f32 v38, v5;
	v50 =	vmul.f32 v50, v5;
	v38 =	vor.u32 v37, v13  }
0xc1: {  	v28 =	vmul.f32 v28, v6;
	v18 =	vld.idx.msk [tilespmem:v45+s1+$0x0], $0xffff;
	v33 =	vmul.f32 v33, v6;
	v45 =	vadd.s32 v10, v55  }
0xc2: {  	v46 =	vld.idx.msk [tilespmem:v46+s1+$0x0], $0xffff;
	v55 =	vadd.s32 v12, v55;
	v36 =	vmul.f32 v36, v6;
	v48 =	vmul.f32 v35, v6  }
0xc3: {  	v22 =	vld.idx.msk [tilespmem:v32+s1+$0x0], $0xffff;
	v29 =	vmul.f32 v29, v6;
	v28 =	vadd.f32 v28, v57;
	v57 =	vmul.u32 $0x3E8, v42  }
0xc4: {  	v31 =	vadd.f32 v33, v31;
	v40 =	vmul.f32 v41, v5;
	v41 =	vld.idx.msk [tilespmem:v43+s1+$0x0], $0xffff;
	v33 =	vor.u32 v44, v13  }
0xc5: {  	v43 =	vld.idx.msk [tilespmem:v34+s1+$0x0], $0xffff;
	v44 =	vadd.s32 v8, v30;
	v34 =	vadd.s32 v8, v49;
	v29 =	vadd.f32 v29, v50  }
0xc6: {  	v61 =	vadd.s32 v8, v57;
	[tilespmem:v24+s11+$0x0] =	vst.idx.msk $0xffff, v28;
	v32 =	vadd.s32 v9, v57;
	v24 =	vld.idx.msk [tilespmem:v26+s1+$0x0], $0xffff  }
0xc7: {  	v26 =	vmul.f32 v60, v6;
	v28 =	vadd.f32 v36, v63;
	v63 =	vld.idx.msk [tilespmem:v51+s1+$0x0], $0xffff;
	v60 =	vmul.f32 v62, v6  }
0xc8: {  	[tilespmem:v52+s11+$0x0] =	vst.idx.msk $0xffff, v31;
	v51 =	vld.idx.msk [tilespmem:v54+s1+$0x0], $0xffff;
	v62 =	vmul.f32 v47, v6;
	v31 =	vmul.f32 v46, v6  }
0xc9: {  	v22 =	vmul.f32 v22, v5;
	v30 =	vmul.f32 v18, v6;
	v18 =	vor.u32 v39, v13;
	v39 =	vld.idx.msk [tilespmem:v56+s1+$0x0], $0xffff  }
0xca: {  	v35 =	vadd.f32 v26, v40;
	v26 =	vor.u32 v19, v13;
	v40 =	vld.idx.msk [tilespmem:v58+s1+$0x0], $0xffff;
	v58 =	vor.u32 v25, v13  }
0xcb: {  	v25 =	vld.idx.msk [tilespmem:v45+s1+$0x0], $0xffff;
	v19 =	vor.u32 v42, v13;
	v57 =	vmul.f32 v41, v5;
	v24 =	vmul.f32 v24, v5  }
0xcc: {  	v42 =	vld.idx.msk [tilespmem:v55+s1+$0x0], $0xffff;
	v36 =	vadd.f32 v30, v22;
	v22 =	vor.u32 v27, v13;
	v27 =	vmul.f32 v43, v5  }
0xcd: {  	v41 =	vld.idx.msk [tilespmem:v59+s1+$0x0], $0xffff;
	v30 =	vor.u32 v21, v13;
	v63 =	vmul.f32 v63, v5;
	v48 =	vadd.f32 v48, v24  }
0xce: {  	v21 =	vld.idx.msk [tilespmem:v44+s1+$0x0], $0xffff;
	v43 =	vadd.f32 v31, v57;
	v27 =	vadd.f32 v62, v27;
	v31 =	vmul.f32 v53, v6  }
0xcf: {  	s23 =	simm.s32 $0x10;
	v37 =	vmul.f32 v51, v6;
	v24 =	vld.idx.msk [tilespmem:v61+s1+$0x0], $0xffff;
	v44 =	vadd.f32 v60, v63;
	[tilespmem:v58+s11+$0x0] =	vst.idx.msk $0xffff, v48  }
.LBB2_8:
0xd0: {  	s20 =	sadd.s32 $0x1, s23  }
0xd1: {  	s22 =	sadd.s32 $0x2, s23;
	s24 =	sadd.s32 $0x3, s23;
	v39 =	vmul.f32 v39, v5;
	v40 =	vmul.f32 v40, v6;
	v32 =	vld.idx.msk [tilespmem:v32+s1+$0x0], $0xffff;
	[tilespmem:v23+s11+$0x0] =	vst.idx.msk $0xffff, v43;
	s21 =	smov.u32 s23  }
0xd2: {  	v23 =	vor.u32 s23, v11;
	s25 =	sadd.s32 $0x5, s23;
	v43 =	vadd.s32 s20, v0;
	v45 =	vadd.s32 s22, v0;
	s20 =	sadd.s32 $0x4, s23;
	s22 =	sadd.s32 $0x6, s23;
	[tilespmem:v33+s11+$0x0] =	vst.idx.msk $0xffff, v44  }
0xd3: {  	s26 =	sadd.s32 $0x9, s23;
	v44 =	vadd.s32 s25, v0;
	s25 =	sadd.s32 $0x8, s23;
	v41 =	vmul.f32 v41, v6;
	v33 =	vadd.s32 s20, v0;
	s20 =	sadd.s32 $0x7, s23;
	[tilespmem:v38+s11+$0x0] =	vst.idx.msk $0xffff, v35;
	v34 =	vld.idx.msk [tilespmem:v34+s1+$0x0], $0xffff  }
0xd4: {  	s28 =	sadd.s32 $0xC, s23;
	v46 =	vmul.f32 v25, v5;
	v38 =	vadd.s32 s25, v0;
	s25 =	sadd.s32 $0xB, s23;
	v35 =	vadd.s32 s20, v0;
	s20 =	sadd.s32 $0xA, s23;
	[tilespmem:v26+s11+$0x0] =	vst.idx.msk $0xffff, v36  }
0xd5: {  	s29 =	sadd.s32 $0xE, s21;
	v48 =	vmul.f32 v21, v5;
	v47 =	vadd.s32 s25, v0;
	s25 =	sadd.s32 $0xD, s21;
	v36 =	vadd.s32 s20, v0;
	s20 =	sadd.s32 $0x10, s23;
	[tilespmem:v20+s11+$0x0] =	vst.idx.msk $0xffff, v28  }
0xd6: {  	p0 =	slt.u32 s23, $0x30;
	v45 =	vand.u32 $0x3F, v45;
	v25 =	vadd.s32 s29, v0;
	v21 =	vadd.s32 s25, v0  }
0xd7: {  	v26 =	vmul.f32 v42, v6;
	v20 =	vand.u32 $0x3F, v35;
	v35 =	vand.u32 $0x3F, v21  }
0xd8: {  	v28 =	vadd.s32 s26, v0;
	v42 =	vmul.f32 v24, v5;
	v21 =	vand.u32 $0x3F, v25  }
0xd9: {  	v25 =	vand.u32 $0x3F, v43;
	v24 =	vand.u32 $0x3F, v28;
	v32 =	vmul.f32 v32, v6;
	v17 =	vld.idx.msk [tilespmem:v17+s1+$0x0], $0xffff  }
0xda: {  	v49 =	vadd.s32 s28, v0;
	v43 =	vadd.s32 s24, v0;
	v46 =	vadd.f32 v26, v46  }
0xdb: {  	v50 =	vmul.u32 $0x3E8, v24;
	v51 =	vmul.u32 $0x3E8, v35;
	v34 =	vmul.f32 v34, v5  }
0xdc: {  	v28 =	vmul.u32 $0x3E8, v20;
	v26 =	vand.u32 $0x3F, v38;
	v52 =	vmul.u32 $0x3E8, v25  }
0xdd: {  	v38 =	vadd.s32 v8, v51;
	v51 =	vadd.s32 v9, v51;
	v34 =	vadd.f32 v37, v34  }
0xde: {  	v47 =	vand.u32 $0x3F, v47;
	v36 =	vand.u32 $0x3F, v36;
	v37 =	vadd.s32 v9, v28;
	[tilespmem:v7+s11+$0x0] =	vst.idx.msk $0xffff, v46;
	v7 =	vmovc v23  }
0xdf: {  	s23 =	sadd.s32 $0xF, s21;
	v53 =	vmul.u32 $0x3E8, v36;
	v23 =	vadd.s32 v8, v52;
	v46 =	vadd.s32 v9, v50;
	[tilespmem:v30+s11+$0x0] =	vst.idx.msk $0xffff, v34  }
0xe0: {  	v32 =	vadd.f32 v32, v42;
	v34 =	vmul.u32 $0x3E8, v47;
	v30 =	vand.u32 $0x3F, v49  }
0xe1: {  	v31 =	vadd.f32 v31, v48;
	v42 =	vadd.s32 v8, v53;
	v49 =	vadd.s32 v9, v53  }
0xe2: {  	v53 =	vadd.s32 s23, v0;
	v48 =	vadd.s32 v8, v34;
	v34 =	vadd.s32 v9, v34;
	[tilespmem:v22+s11+$0x0] =	vst.idx.msk $0xffff, v29  }
0xe3: {  	v39 =	vadd.f32 v40, v39;
	v22 =	vand.u32 $0x3F, v43;
	v43 =	vmul.u32 $0x3E8, v30;
	[tilespmem:v15+s11+$0x0] =	vst.idx.msk $0xffff, v31  }
0xe4: {  	v29 =	vand.u32 $0x3F, v44;
	v31 =	vand.u32 $0x3F, v53;
	v15 =	vld.idx.msk [tilespmem:v38+s1+$0x0], $0xffff;
	[tilespmem:v16+s11+$0x0] =	vst.idx.msk $0xffff, v27;
	v16 =	vmul.f32 v17, v5  }
0xe5: {  	v17 =	vor.u32 v45, v13;
	v27 =	vand.u32 $0x3F, v33;
	v33 =	vadd.s32 v9, v43;
	v38 =	vld.idx.msk [tilespmem:v51+s1+$0x0], $0xffff  }
0xe6: {  	v44 =	vadd.s32 s22, v0;
	v40 =	vmul.u32 $0x3E8, v22;
	[tilespmem:v14+s11+$0x0] =	vst.idx.msk $0xffff, v39;
	v16 =	vadd.f32 v41, v16;
	v14 =	vmovc v17  }
0xe7: {  	v39 =	vand.u32 $0x3F, v44;
	v17 =	vmul.u32 $0x3E8, v26;
	v44 =	vmul.u32 $0x3E8, v31;
	v41 =	vld.idx.msk [tilespmem:v49+s1+$0x0], $0xffff;
	[tilespmem:v19+s11+$0x0] =	vst.idx.msk $0xffff, v32  }
0xe8: {  	v19 =	vadd.s32 v9, v40;
	v32 =	vmul.u32 $0x3E8, v39;
	v49 =	vmul.u32 $0x3E8, v21;
	v48 =	vld.idx.msk [tilespmem:v48+s1+$0x0], $0xffff;
	[tilespmem:v18+s11+$0x0] =	vst.idx.msk $0xffff, v16  }
0xe9: {  	v40 =	vadd.s32 v8, v40;
	v16 =	vadd.s32 v8, v43;
	v43 =	vadd.s32 v8, v44;
	v18 =	vld.idx.msk [tilespmem:v23+s1+$0x0], $0xffff  }
0xea: {  	v51 =	vadd.s32 v8, v32;
	v53 =	vadd.s32 v9, v32;
	v32 =	vld.idx.msk [tilespmem:v42+s1+$0x0], $0xffff;
	v42 =	vadd.s32 v9, v44  }
0xeb: {  	v23 =	vmul.u32 $0x3E8, v45;
	v45 =	vadd.s32 v9, v49;
	v44 =	vadd.s32 v8, v17;
	v37 =	vld.idx.msk [tilespmem:v37+s1+$0x0], $0xffff  }
0xec: {  	v54 =	vmov s21;
	v55 =	vadd.s32 v9, v17;
	v38 =	vmul.f32 v38, v6;
	v46 =	vld.idx.msk [tilespmem:v46+s1+$0x0], $0xffff  }
0xed: {  	v15 =	vmul.f32 v15, v5;
	v56 =	vadd.s32 v8, v23;
	v57 =	vld.idx.msk [tilespmem:v19+s1+$0x0], $0xffff;
	v19 =	vmul.u32 $0x3E8, v27  }
0xee: {  	v35 =	vor.u32 v35, v13;
	v50 =	vadd.s32 v8, v50;
	v58 =	vadd.s32 v9, v23;
	v59 =	vld.idx.msk [tilespmem:v16+s1+$0x0], $0xffff  }
0xef: {  	v23 =	vor.u32 v31, v13;
	v17 =	vadd.s32 v8, v19;
	v60 =	vadd.s32 v9, v19;
	v19 =	vld.idx.msk [tilespmem:v34+s1+$0x0], $0xffff  }
0xf0: {  	v31 =	vmul.f32 v32, v5;
	v34 =	vor.u32 v36, v13;
	v32 =	vadd.f32 v38, v15;
	v36 =	vld.idx.msk [tilespmem:v42+s1+$0x0], $0xffff  }
0xf1: {  	v38 =	vmul.u32 $0x3E8, v54;
	v42 =	vadd.s32 v9, v52;
	v52 =	vmul.u32 $0x3E8, v29;
	v54 =	vld.idx.msk [tilespmem:v33+s1+$0x0], $0xffff  }
0xf2: {  	v15 =	vor.u32 v20, v13;
	v20 =	vor.u32 v47, v13;
	v33 =	vmul.f32 v41, v6;
	v55 =	vld.idx.msk [tilespmem:v55+s1+$0x0], $0xffff  }
0xf3: {  	v16 =	vor.u32 v22, v13;
	v41 =	vadd.s32 v10, v38;
	v47 =	vadd.s32 v8, v52;
	v22 =	vld.idx.msk [tilespmem:v44+s1+$0x0], $0xffff  }
0xf4: {  	v44 =	vadd.s32 v12, v38;
	v31 =	vadd.f32 v33, v31;
	v38 =	vmul.f32 v59, v5;
	v43 =	vld.idx.msk [tilespmem:v43+s1+$0x0], $0xffff  }
0xf5: {  	v19 =	vmul.f32 v19, v6;
	v59 =	vld.idx.msk [tilespmem:v40+s1+$0x0], $0xffff;
	v40 =	vmul.f32 v48, v5;
	[tilespmem:v35+s11+$0x0] =	vst.idx.msk $0xffff, v32  }
0xf6: {  	v32 =	vadd.s32 v9, v52;
	v48 =	vld.idx.msk [tilespmem:v50+s1+$0x0], $0xffff;
	[tilespmem:v34+s11+$0x0] =	vst.idx.msk $0xffff, v31;
	v31 =	vmul.f32 v36, v6  }
0xf7: {  	v33 =	vor.u32 v39, v13;
	v52 =	vadd.s32 v8, v28;
	v35 =	vmul.f32 v54, v6;
	v50 =	vld.idx.msk [tilespmem:v53+s1+$0x0], $0xffff  }
0xf8: {  	v46 =	vmul.f32 v46, v6;
	v34 =	vadd.s32 v8, v49;
	v28 =	vadd.f32 v19, v40;
	v42 =	vld.idx.msk [tilespmem:v42+s1+$0x0], $0xffff  }
0xf9: {  	v19 =	vmul.f32 v22, v5;
	v22 =	vmul.f32 v55, v6;
	v35 =	vadd.f32 v35, v38;
	v49 =	vld.idx.msk [tilespmem:v51+s1+$0x0], $0xffff  }
0xfa: {  	v51 =	vmul.f32 v18, v5;
	v18 =	vor.u32 v27, v13;
	v27 =	vmul.f32 v43, v5;
	v45 =	vld.idx.msk [tilespmem:v45+s1+$0x0], $0xffff  }
0xfb: {  	v26 =	vor.u32 v26, v13;
	v38 =	vor.u32 v30, v13;
	v36 =	vadd.f32 v22, v19;
	v39 =	vld.idx.msk [tilespmem:v56+s1+$0x0], $0xffff  }
0xfc: {  	v22 =	vor.u32 v25, v13;
	v43 =	vmul.f32 v48, v5;
	v48 =	vor.u32 v24, v13;
	v40 =	vld.idx.msk [tilespmem:v58+s1+$0x0], $0xffff  }
.Ltmp2:
0xfd: {  	v19 =	vor.u32 v29, v13;
	v24 =	vmul.f32 v59, v5;
	v50 =	vmul.f32 v50, v6;
	v25 =	vld.idx.msk [tilespmem:v41+s1+$0x0], $0xffff;
	(pc) =	sbr.rel @p0 .LBB2_8-.Ltmp2, $4  }
0xfe: {  	v53 =	vmul.f32 v57, v6;
	v30 =	vor.u32 v21, v13;
	v29 =	vmul.f32 v42, v6;
	v41 =	vld.idx.msk [tilespmem:v60+s1+$0x0], $0xffff  }
0xff: {  	v46 =	vadd.f32 v46, v43;
	v43 =	vadd.f32 v31, v27;
	v49 =	vmul.f32 v49, v5;
	v21 =	vld.idx.msk [tilespmem:v52+s1+$0x0], $0xffff  }
0x100: {  	v27 =	vadd.f32 v53, v24;
	v31 =	vmul.f32 v37, v6;
	v29 =	vadd.f32 v29, v51;
	v42 =	vld.idx.msk [tilespmem:v44+s1+$0x0], $0xffff  }
0x101: {  	s23 =	smov.u32 s20;
	v37 =	vmul.f32 v45, v6;
	v44 =	vadd.f32 v50, v49;
	v24 =	vld.idx.msk [tilespmem:v47+s1+$0x0], $0xffff;
	[tilespmem:v48+s11+$0x0] =	vst.idx.msk $0xffff, v46  }
0x102: {  	_ =	sdelay $0x3  }
0x103: {  	[tilespmem:v23+s11+$0x0] =	vst.idx.msk $0xffff, v43  }
0x104: {  	[tilespmem:v38+s11+$0x0] =	vst.idx.msk $0xffff, v35  }
0x105: {  	v8 =	vld.idx.msk [tilespmem:v34+s1+$0x0], $0xffff;
	[tilespmem:v26+s11+$0x0] =	vst.idx.msk $0xffff, v36  }
0x106: {  	v9 =	vmul.f32 v25, v5;
	v11 =	vld.idx.msk [tilespmem:v32+s1+$0x0], $0xffff;
	[tilespmem:v20+s11+$0x0] =	vst.idx.msk $0xffff, v28;
	v13 =	vmul.f32 v39, v5  }
0x107: {  	v12 =	vld.idx.msk [tilespmem:v17+s1+$0x0], $0xffff;
	v60 =	vmul.f32 v40, v6;
	[tilespmem:v22+s11+$0x0] =	vst.idx.msk $0xffff, v29;
	v10 =	vmul.f32 v42, v6  }
0x108: {  	[tilespmem:v16+s11+$0x0] =	vst.idx.msk $0xffff, v27;
	v59 =	vmul.f32 v21, v5  }
0x109: {  	[tilespmem:v33+s11+$0x0] =	vst.idx.msk $0xffff, v44;
	v63 =	vadd.f32 v60, v13;
	v9 =	vadd.f32 v10, v9  }
0x10a: {  	s19 =	sadd.s32 $0x1, s19;
	v61 =	vadd.f32 v31, v59;
	v62 =	vmul.f32 v24, v5;
	v8 =	vmul.f32 v8, v5  }
0x10b: {  	p0 =	sne.s32 s19, $0x10;
	[tilespmem:v7+s11+$0x0] =	vst.idx.msk $0xffff, v9;
	v7 =	vmul.f32 v41, v6;
	v6 =	vmul.f32 v11, v6  }
.Ltmp3:
0x10c: {  	[tilespmem:v14+s11+$0x0] =	vst.idx.msk $0xffff, v63;
	v5 =	vmul.f32 v12, v5;
	v8 =	vadd.f32 v37, v8;
	(pc) =	sbr.rel @p0 .LBB2_7-.Ltmp3, $4  }
0x10d: {  	[tilespmem:v15+s11+$0x0] =	vst.idx.msk $0xffff, v61;
	v6 =	vadd.f32 v6, v62  }
0x10e: {  	[tilespmem:v30+s11+$0x0] =	vst.idx.msk $0xffff, v8;
	v5 =	vadd.f32 v7, v5  }
0x10f: {  	[tilespmem:v19+s11+$0x0] =	vst.idx.msk $0xffff, v6  }
0x110: {  	[tilespmem:v18+s11+$0x0] =	vst.idx.msk $0xffff, v5  }
0x111: {  	s15 =	sadd.s32 $0x1, s15  }
0x112: {  	p0 =	sne.s32 s15, $0x19  }
.Ltmp4:
0x113: {  	s16 =	sadd.s32 s3, s16;
	(pc) =	sbr.rel @p0 .LBB2_2-.Ltmp4, $4  }
0x114: {  	s16 =	sshll.u32 s16, $0x3  }
0x115: {  	s16 =	sand.u32 $0x1FFFF800, s16  }
0x116: {  	s16 =	sadd.s32 s5, s16  }
0x117: {  	[hbm4b:s16+s1] =	stream.linear.scatter [tilespmem:s11], [sflag:$0x2], $0x4000, $0x38;
	[tilespmem:$0x1AC00] =	vst v63  }
0x118: {  	s14 =	sadd.s32 $0x1, s14  }
0x119: {  	_ =	swait.ge [sflag:s12], $0x4000;
	p0 =	sne.s32 s14, s7  }
.Ltmp5:
0x11a: {  	[sflag:s12] =	ssyncset.done $0x0;
	(pc) =	sbr.rel @p0 .LBB2_1-.Ltmp5, $4  }
0x11b: {  	[sflag:s12] =	ssyncadd.s32 $0xFFFFC000  }
0x11c: {  	_ =	swait.ge [sflag:s13], $0x4000  }
0x11d: {  	[sflag:s13] =	ssyncset.done $0x0  }
0x11e: {  	[sflag:s13] =	ssyncadd.s32 $0xFFFFC000  }
0x11f: {  	_ =	sfence.sel $0x180000  }
0x120: {  	[bflag:$0x0] =	sbarrier.arrive $0xFFFF  }
0x121: {  	p0 =	sne.s32 s2, $0x0;
	_ =	strace $0x90000047  }
0x122: {  	s0 =	sadd.s32 @!p0 $0x100000, s0;
	[bflag:$0x2] =	sbarrier.arrive $0xFFFF  }
0x123: {  	[sflag:s0] =	ssyncadd.tile.s32 @!p0 $0x1;
	_ =	shalt  }
.Lfunc_end2:
_tile_overlayer_lowered:
.L_overlay_start_2:
0x124: {  	(tag) =	ssettag $0x2  }
0x125: {  	s0 =	rddreg [dreg:$0x0];
	s2 =	stileid.u32  }
0x126: {  	s1 =	rddreg [dreg:$0x1];
	p0 =	sne.s32 s2, $0x0  }
0x127: {  	s3 =	rddreg [dreg:$0x2];
	[bflag:$0x3] =	sbarrier.arrive $0xFFFF;
	s2 =	simm.s32 @!p0 $0x1C03  }
0x128: {  	[timem:s3], [sflag:s2] =	dma.local @!p0 [hbm:s0], s1  }
0x129: {  	s0 =	simm.s32 @!p0 $0x3  }
0x12a: {  	_ =	swait.ge @!p0 [sflag:s0], s1  }
0x12b: {  	s1 =	ssub.s32 @!p0 $0x0, s1;
	[sflag:s0] =	ssyncset.done @!p0 $0x0  }
0x12c: {  	[sflag:s0] =	ssyncadd.s32 @!p0 s1  }
0x12d: {  	[bflag:$0x3] =	sbarrier.arrive $0xFFFF  }
0x12e: {  	_ =	shalt  }

</sc_bundles>
